<compile_context>
chip_gen: v7x
topology: tpu7x:2x2x1
jax: 0.10.2.dev20260603
libtpu: 0.0.44.dev20260713+nightly
codegen_flags: <defaults>
</compile_context>

<pallas_src>
import functools

import jax
import jax.numpy as jnp
from jax import lax
from jax.experimental import pallas as pl
from jax.experimental.pallas import tpu as pltpu
from jax.experimental.pallas import tpu_sc as plsc

_NC = 2
_NS = 16
_NW = _NC * _NS
_K = 125
_W = 16


def _sc_mesh():
    return plsc.VectorSubcoreMesh(core_axis_name="c", subcore_axis_name="s")


def _deg_partials(dst4, n_pad):
    _, NWIN, W, K = dst4.shape
    zc = n_pad // _NS
    kp = ((K + 15) // 16) * 16

    @functools.partial(
        pl.kernel,
        mesh=_sc_mesh(),
        out_type=jax.ShapeDtypeStruct((_NC, n_pad), jnp.float32),
        scratch_types=[
            pltpu.VMEM((W, K), jnp.int32),
            pltpu.VMEM((kp,), jnp.float32),
            pltpu.VMEM((zc,), jnp.float32),
            pltpu.VMEM_SHARED((n_pad,), jnp.float32),
            pltpu.SemaphoreType.DMA,
        ],
    )
    def deg_kernel(dst_hbm, out_hbm, dst_v, ones_v, zb_v, deg_sh, sem):
        c = lax.axis_index("c")
        s = lax.axis_index("s")
        wid = s * _NC + c

        def zfill(i, carry):
            zb_v[pl.ds(i * 16, 16)] = jnp.zeros((16,), jnp.float32)
            return carry

        lax.fori_loop(0, zc // 16, zfill, 0)
        for i in range(kp // 16):
            ones_v[pl.ds(i * 16, 16)] = jnp.ones((16,), jnp.float32)

        pltpu.sync_copy(zb_v, deg_sh.at[pl.ds(s * zc, zc)])
        plsc.subcore_barrier()

        def window(w, carry):
            pltpu.async_copy(dst_hbm.at[wid, w], dst_v, sem).wait()

            def body(j, carry2):
                pltpu.sync_copy(ones_v.at[pl.ds(0, K)],
                                deg_sh.at[dst_v.at[j]], add=True)
                return carry2

            return lax.fori_loop(0, W, body, carry)

        lax.fori_loop(0, NWIN, window, 0)
        plsc.subcore_barrier()
        pltpu.sync_copy(deg_sh.at[pl.ds(s * zc, zc)],
                        out_hbm.at[c, pl.ds(s * zc, zc)])

    return deg_kernel(dst4)


def _edge_scatter(src4, dst4, h2, n_pad):
    _, NWIN, W, K = src4.shape
    N, D = h2.shape
    rpt = n_pad // _NS
    zr = 32

    @functools.partial(
        pl.kernel,
        mesh=_sc_mesh(),
        out_type=jax.ShapeDtypeStruct((_NC, n_pad, D), jnp.float32),
        scratch_types=[
            pltpu.VMEM((2, W, K), jnp.int32),
            pltpu.VMEM((2, W, K), jnp.int32),
            pltpu.VMEM((K, D), jnp.float32),
            pltpu.VMEM((K, D), jnp.float32),
            pltpu.VMEM((zr, D), jnp.float32),
            pltpu.VMEM_SHARED((n_pad, D), jnp.float32),
            pltpu.SemaphoreType.DMA,
            pltpu.SemaphoreType.DMA,
            pltpu.SemaphoreType.DMA,
        ],
    )
    def edge_kernel(src_hbm, dst_hbm, h2_hbm, out_hbm,
                    src_v, dst_v, rows_a, rows_b, zrow_v, acc_sh,
                    sem_i, sem_a, sem_b):
        c = lax.axis_index("c")
        s = lax.axis_index("s")
        wid = s * _NC + c

        def zfill(i, carry):
            for j in range(D // 16):
                zrow_v[i, pl.ds(j * 16, 16)] = jnp.zeros((16,), jnp.float32)
            return carry

        lax.fori_loop(0, zr, zfill, 0)

        def load_idx(w, slot):
            pltpu.async_copy(src_hbm.at[wid, w], src_v.at[slot], sem_i)
            pltpu.async_copy(dst_hbm.at[wid, w], dst_v.at[slot], sem_i)

        def idx_wait():
            pltpu.make_async_copy(src_hbm.at[wid, 0], src_v.at[0], sem_i).wait()
            pltpu.make_async_copy(dst_hbm.at[wid, 0], dst_v.at[0], sem_i).wait()

        def zcopy(k, carry):
            pltpu.sync_copy(zrow_v, acc_sh.at[pl.ds(s * rpt + k * zr, zr)])
            return carry

        load_idx(0, 0)
        lax.fori_loop(0, rpt // zr, zcopy, 0)
        plsc.subcore_barrier()

        def gather(slot, j, buf, sem):
            pltpu.async_copy(h2_hbm.at[src_v.at[slot, j]], buf, sem)

        def gwait(buf, sem):
            pltpu.make_async_copy(h2_hbm.at[src_v.at[0, 0]], buf, sem).wait()

        def scatter(slot, j, buf):
            pltpu.sync_copy(buf, acc_sh.at[dst_v.at[slot, j]], add=True)

        def window(w, carry):
            slot = w % 2
            idx_wait()

            @pl.when(w < NWIN - 1)
            def _():
                load_idx(w + 1, 1 - slot)

            gather(slot, 0, rows_a, sem_a)

            def pair(p, carry2):
                gather(slot, 2 * p + 1, rows_b, sem_b)
                gwait(rows_a, sem_a)
                scatter(slot, 2 * p, rows_a)

                @pl.when(p < W // 2 - 1)
                def _():
                    gather(slot, 2 * p + 2, rows_a, sem_a)

                gwait(rows_b, sem_b)
                scatter(slot, 2 * p + 1, rows_b)
                return carry2

            return lax.fori_loop(0, W // 2, pair, carry)

        lax.fori_loop(0, NWIN, window, 0)
        plsc.subcore_barrier()
        pltpu.sync_copy(acc_sh.at[pl.ds(s * rpt, rpt)],
                        out_hbm.at[c, pl.ds(s * rpt, rpt)])

    return edge_kernel(src4, dst4, h2)


def _tc_matmul(x, W):
    N, _ = x.shape
    Dout = W.shape[1]

    def body(x_ref, w_ref, h_ref):
        h_ref[...] = jnp.dot(x_ref[...], w_ref[...],
                             preferred_element_type=jnp.float32)

    return pl.pallas_call(
        body, out_shape=jax.ShapeDtypeStruct((N, Dout), jnp.float32),
    )(x, W)


def _tc_scale(h, deg2):
    N, Dout = h.shape

    def body(h_ref, deg_ref, h2_ref):
        deg = deg_ref[0] + deg_ref[1] + 1.0
        dis = lax.rsqrt(deg)
        h2_ref[...] = h_ref[...] * dis

    return pl.pallas_call(
        body, out_shape=jax.ShapeDtypeStruct((N, Dout), jnp.float32),
    )(h, deg2)


def _tc_finish(acc, h2, deg2, b2):
    N, D = h2.shape

    def body(acc_ref, h2_ref, deg_ref, b_ref, out_ref):
        deg = deg_ref[0] + deg_ref[1] + 1.0
        dis = lax.rsqrt(deg)
        tot = acc_ref[0, :N, :] + acc_ref[1, :N, :] + h2_ref[...]
        out_ref[...] = jnp.maximum(tot * dis + b_ref[...], 0.0)

    return pl.pallas_call(
        body, out_shape=jax.ShapeDtypeStruct((N, D), jnp.float32),
    )(acc, h2, deg2, b2)


def kernel(x, edge_index, W, b):
    N, _ = x.shape
    Dout = W.shape[1]
    E = edge_index.shape[1]
    assert E % (_NW * _K * _W) == 0, "edge count must tile over 32 workers"
    nwin = E // (_NW * _K * _W)
    n_pad = ((N + 16 * _NS - 1) // (16 * _NS)) * (16 * _NS)

    ei = edge_index.astype(jnp.int32)
    src4 = ei[0].reshape(_NW, nwin, _W, _K)
    dst4 = ei[1].reshape(_NW, nwin, _W, _K)

    h = _tc_matmul(x, W)
    deg_p = _deg_partials(dst4, n_pad)
    deg2 = deg_p[:, :N].reshape(_NC, N, 1)
    h2 = _tc_scale(h, deg2)
    acc = _edge_scatter(src4, dst4, h2, n_pad)
    return _tc_finish(acc, h2, deg2, b.reshape(1, Dout))

# --- scband reference (transcript-rebuilt; emitter-appended) ---
"""Pipeline reference for scband-gcnlayer-45586782880363 (READ-ONLY COPY).

The authoritative reference and input builder live on the scoring server;
editing this copy changes nothing except your own understanding.
"""

import jax, jax.numpy as jnp
import numpy as np

N_NODES = 10000
D_IN = 128
D_OUT = 128
N_EDGES = 320000


def setup_inputs(seed: int = 0) -> dict:
    key = jax.random.key(seed)
    k1, k2, k3, k4 = jax.random.split(key, 4)
    x = jax.random.normal(k1, (N_NODES, D_IN), dtype=jnp.float32)
    edge_index = jax.random.randint(k2, (2, N_EDGES), 0, N_NODES, dtype=jnp.int64)
    # Glorot-initialized linear weight + zero bias, as in torch_geometric GCNConv
    limit = float(np.sqrt(6.0 / (D_IN + D_OUT)))
    W = jax.random.uniform(k3, (D_IN, D_OUT), minval=-limit, maxval=limit, dtype=jnp.float32)
    b = jnp.zeros((D_OUT,), dtype=jnp.float32)
    return {"x": x, "edge_index": edge_index, "W": W, "b": b}


def reference(x, edge_index, W, b):
    N = x.shape[0]
    # GCNConv: add self-loops, symmetric degree normalization, linear, scatter-add
    loop = jnp.arange(N, dtype=edge_index.dtype)
    src = jnp.concatenate([edge_index[0], loop])
    dst = jnp.concatenate([edge_index[1], loop])
    deg = jnp.zeros((N,), dtype=x.dtype).at[dst].add(1.0)
    deg_inv_sqrt = jnp.where(deg > 0, jax.lax.rsqrt(jnp.maximum(deg, 1e-12)), 0.0)
    norm = deg_inv_sqrt[src] * deg_inv_sqrt[dst]
    h = x @ W
    msg = h[src] * norm[:, None]
    out = jnp.zeros((N, W.shape[1]), dtype=x.dtype).at[dst].add(msg)
    out = out + b
    return jax.nn.relu(out)

if __name__ == "__main__":
    import jax
    _d = setup_inputs()
    print(jax.jit(kernel)(*tuple(_d.values())))

</pallas_src>

<mosaic_0001>
#map = affine_map<(d0, d1) -> (0, 0, 0, 0)>
#map1 = affine_map<(d0, d1) -> (0, 0)>
module attributes {stable_mosaic.version = 14 : i64} {
  func.func @deg_kernel(%arg0: i32, %arg1: i32, %arg2: memref<32x5x16x125xi32, #tpu.memory_space<hbm>>, %arg3: memref<2x10240xf32, #tpu.memory_space<hbm>>, %arg4: memref<16x125xi32, #tpu.memory_space<vmem>>, %arg5: memref<128xf32, #tpu.memory_space<vmem>>, %arg6: memref<640xf32, #tpu.memory_space<vmem>>, %arg7: memref<10240xf32, #tpu.memory_space<vmem_shared>>, %arg8: memref<!tpu.dma_semaphore, #tpu.memory_space<semaphore_mem>>) attributes {dimension_semantics = [#tpu.dimension_semantics<core_parallel>, #tpu.dimension_semantics<subcore_parallel>], iteration_bounds = array<i64: 2, 16>, scalar_prefetch = 0 : i64, scratch_operands = 5 : i64, tpu.core_type = #tpu.core_type<sc_vector_subcore>, window_params = [{transform_indices = #map}, {transform_indices = #map1}]} {
    %mul3A = arith.constant 2 : i32
    %mul3A_0 = arith.muli %arg1, %mul3A : i32
    %add3A = arith.addi %mul3A_0, %arg0 : i32
    %scan3A = arith.constant 0 : i32
    %scan3A_1 = arith.constant 0 : i32
    %scan3A_2 = arith.constant 40 : i32
    %scan3A_3 = arith.addi %scan3A_1, %scan3A_2 : i32
    %scan3A_4 = arith.constant 1 : i32
    scf.for %scan3A_65 = %scan3A_1 to %scan3A_3 step %scan3A_4  : i32 {
      %broadcast_in_dim3A_66 = arith.constant 0.000000e+00 : f32
      %broadcast_in_dim3A_67 = vector.broadcast %broadcast_in_dim3A_66 : f32 to vector<16xf32>
      %mul3A_68 = arith.constant 16 : i32
      %mul3A_69 = arith.muli %scan3A_65, %mul3A_68 : i32
      %swap3A_70 = arith.index_cast %mul3A_69 : i32 to index
      %swap3A_71 = tpu.vector_load %arg6[%swap3A_70] {strides = array<i32>} : memref<640xf32, #tpu.memory_space<vmem>>, vector<16xf32>,
      %swap3A_72 = vector.shape_cast %swap3A_71 : vector<16xf32> to vector<16xf32>
      %swap3A_73 = vector.shape_cast %broadcast_in_dim3A_67 : vector<16xf32> to vector<16xf32>
      tpu.vector_store %arg6[%swap3A_70], %swap3A_73 {strides = array<i32>} : memref<640xf32, #tpu.memory_space<vmem>>, vector<16xf32>,
    }
    %scan3A_5 = arith.constant 40 : i32
    %broadcast_in_dim3A = arith.constant 1.000000e+00 : f32
    %broadcast_in_dim3A_6 = vector.broadcast %broadcast_in_dim3A : f32 to vector<16xf32>
    %swap3A = arith.constant 0 : index
    %swap3A_7 = tpu.vector_load %arg5[%swap3A] {strides = array<i32>} : memref<128xf32, #tpu.memory_space<vmem>>, vector<16xf32>,
    %swap3A_8 = vector.shape_cast %swap3A_7 : vector<16xf32> to vector<16xf32>
    %swap3A_9 = vector.shape_cast %broadcast_in_dim3A_6 : vector<16xf32> to vector<16xf32>
    tpu.vector_store %arg5[%swap3A], %swap3A_9 {strides = array<i32>} : memref<128xf32, #tpu.memory_space<vmem>>, vector<16xf32>,
    %broadcast_in_dim3A_10 = arith.constant 1.000000e+00 : f32
    %broadcast_in_dim3A_11 = vector.broadcast %broadcast_in_dim3A_10 : f32 to vector<16xf32>
    %swap3A_12 = arith.constant 16 : index
    %swap3A_13 = tpu.vector_load %arg5[%swap3A_12] {strides = array<i32>} : memref<128xf32, #tpu.memory_space<vmem>>, vector<16xf32>,
    %swap3A_14 = vector.shape_cast %swap3A_13 : vector<16xf32> to vector<16xf32>
    %swap3A_15 = vector.shape_cast %broadcast_in_dim3A_11 : vector<16xf32> to vector<16xf32>
    tpu.vector_store %arg5[%swap3A_12], %swap3A_15 {strides = array<i32>} : memref<128xf32, #tpu.memory_space<vmem>>, vector<16xf32>,
    %broadcast_in_dim3A_16 = arith.constant 1.000000e+00 : f32
    %broadcast_in_dim3A_17 = vector.broadcast %broadcast_in_dim3A_16 : f32 to vector<16xf32>
    %swap3A_18 = arith.constant 32 : index
    %swap3A_19 = tpu.vector_load %arg5[%swap3A_18] {strides = array<i32>} : memref<128xf32, #tpu.memory_space<vmem>>, vector<16xf32>,
    %swap3A_20 = vector.shape_cast %swap3A_19 : vector<16xf32> to vector<16xf32>
    %swap3A_21 = vector.shape_cast %broadcast_in_dim3A_17 : vector<16xf32> to vector<16xf32>
    tpu.vector_store %arg5[%swap3A_18], %swap3A_21 {strides = array<i32>} : memref<128xf32, #tpu.memory_space<vmem>>, vector<16xf32>,
    %broadcast_in_dim3A_22 = arith.constant 1.000000e+00 : f32
    %broadcast_in_dim3A_23 = vector.broadcast %broadcast_in_dim3A_22 : f32 to vector<16xf32>
    %swap3A_24 = arith.constant 48 : index
    %swap3A_25 = tpu.vector_load %arg5[%swap3A_24] {strides = array<i32>} : memref<128xf32, #tpu.memory_space<vmem>>, vector<16xf32>,
    %swap3A_26 = vector.shape_cast %swap3A_25 : vector<16xf32> to vector<16xf32>
    %swap3A_27 = vector.shape_cast %broadcast_in_dim3A_23 : vector<16xf32> to vector<16xf32>
    tpu.vector_store %arg5[%swap3A_24], %swap3A_27 {strides = array<i32>} : memref<128xf32, #tpu.memory_space<vmem>>, vector<16xf32>,
    %broadcast_in_dim3A_28 = arith.constant 1.000000e+00 : f32
    %broadcast_in_dim3A_29 = vector.broadcast %broadcast_in_dim3A_28 : f32 to vector<16xf32>
    %swap3A_30 = arith.constant 64 : index
    %swap3A_31 = tpu.vector_load %arg5[%swap3A_30] {strides = array<i32>} : memref<128xf32, #tpu.memory_space<vmem>>, vector<16xf32>,
    %swap3A_32 = vector.shape_cast %swap3A_31 : vector<16xf32> to vector<16xf32>
    %swap3A_33 = vector.shape_cast %broadcast_in_dim3A_29 : vector<16xf32> to vector<16xf32>
    tpu.vector_store %arg5[%swap3A_30], %swap3A_33 {strides = array<i32>} : memref<128xf32, #tpu.memory_space<vmem>>, vector<16xf32>,
    %broadcast_in_dim3A_34 = arith.constant 1.000000e+00 : f32
    %broadcast_in_dim3A_35 = vector.broadcast %broadcast_in_dim3A_34 : f32 to vector<16xf32>
    %swap3A_36 = arith.constant 80 : index
    %swap3A_37 = tpu.vector_load %arg5[%swap3A_36] {strides = array<i32>} : memref<128xf32, #tpu.memory_space<vmem>>, vector<16xf32>,
    %swap3A_38 = vector.shape_cast %swap3A_37 : vector<16xf32> to vector<16xf32>
    %swap3A_39 = vector.shape_cast %broadcast_in_dim3A_35 : vector<16xf32> to vector<16xf32>
    tpu.vector_store %arg5[%swap3A_36], %swap3A_39 {strides = array<i32>} : memref<128xf32, #tpu.memory_space<vmem>>, vector<16xf32>,
    %broadcast_in_dim3A_40 = arith.constant 1.000000e+00 : f32
    %broadcast_in_dim3A_41 = vector.broadcast %broadcast_in_dim3A_40 : f32 to vector<16xf32>
    %swap3A_42 = arith.constant 96 : index
    %swap3A_43 = tpu.vector_load %arg5[%swap3A_42] {strides = array<i32>} : memref<128xf32, #tpu.memory_space<vmem>>, vector<16xf32>,
    %swap3A_44 = vector.shape_cast %swap3A_43 : vector<16xf32> to vector<16xf32>
    %swap3A_45 = vector.shape_cast %broadcast_in_dim3A_41 : vector<16xf32> to vector<16xf32>
    tpu.vector_store %arg5[%swap3A_42], %swap3A_45 {strides = array<i32>} : memref<128xf32, #tpu.memory_space<vmem>>, vector<16xf32>,
    %broadcast_in_dim3A_46 = arith.constant 1.000000e+00 : f32
    %broadcast_in_dim3A_47 = vector.broadcast %broadcast_in_dim3A_46 : f32 to vector<16xf32>
    %swap3A_48 = arith.constant 112 : index
    %swap3A_49 = tpu.vector_load %arg5[%swap3A_48] {strides = array<i32>} : memref<128xf32, #tpu.memory_space<vmem>>, vector<16xf32>,
    %swap3A_50 = vector.shape_cast %swap3A_49 : vector<16xf32> to vector<16xf32>
    %swap3A_51 = vector.shape_cast %broadcast_in_dim3A_47 : vector<16xf32> to vector<16xf32>
    tpu.vector_store %arg5[%swap3A_48], %swap3A_51 {strides = array<i32>} : memref<128xf32, #tpu.memory_space<vmem>>, vector<16xf32>,
    %mul3A_52 = arith.constant 640 : i32
    %mul3A_53 = arith.muli %arg1, %mul3A_52 : i32
    "tpu.region"() ({
      %run_scoped3A = tpu.sem_alloc : memref<!tpu.dma_semaphore, #tpu.memory_space<semaphore_mem>>
      %dma_start3A = tpu.memref_slice %arg7[%mul3A_53] : memref<10240xf32, #tpu.memory_space<vmem_shared>> -> memref<640xf32, #tpu.memory_space<vmem_shared>>
      %dma_start3A_65 = tpu.memref_slice %arg7[%mul3A_53] : memref<10240xf32, #tpu.memory_space<vmem_shared>> -> memref<640xf32, #tpu.memory_space<vmem_shared>>
      tpu.enqueue_dma source(%arg6 : memref<640xf32, #tpu.memory_space<vmem>>) target(%dma_start3A_65 : memref<640xf32, #tpu.memory_space<vmem_shared>>) target_semaphore(%run_scoped3A : memref<!tpu.dma_semaphore, #tpu.memory_space<semaphore_mem>>)
      %dma_wait3A = tpu.memref_slice %arg7[%mul3A_53] : memref<10240xf32, #tpu.memory_space<vmem_shared>> -> memref<640xf32, #tpu.memory_space<vmem_shared>>
      %dma_wait3A_66 = tpu.memref_slice %arg7[%mul3A_53] : memref<10240xf32, #tpu.memory_space<vmem_shared>> -> memref<640xf32, #tpu.memory_space<vmem_shared>>
      tpu.wait_dma2 semaphore(%run_scoped3A : memref<!tpu.dma_semaphore, #tpu.memory_space<semaphore_mem>>) src(%arg6 : memref<640xf32, #tpu.memory_space<vmem>>) dst(%dma_wait3A_66 : memref<640xf32, #tpu.memory_space<vmem_shared>>)
      tpu.yield
    }) : () -> ()
    %barrier3A = arith.constant 0 : index
    tpu.barrier barrier_id(%barrier3A)
    %scan3A_54 = arith.constant 0 : i32
    %scan3A_55 = arith.constant 0 : i32
    %scan3A_56 = arith.constant 5 : i32
    %scan3A_57 = arith.addi %scan3A_55, %scan3A_56 : i32
    %scan3A_58 = arith.constant 1 : i32
    scf.for %scan3A_65 = %scan3A_55 to %scan3A_57 step %scan3A_58  : i32 {
      %dma_start3A = arith.constant 0 : i32
      %dma_start3A_66 = arith.constant 0 : i32
      %dma_start3A_67 = tpu.memref_slice %arg2[%add3A, %scan3A_65, %dma_start3A, %dma_start3A_66] : memref<32x5x16x125xi32, #tpu.memory_space<hbm>> -> memref<1x1x16x125xi32, #tpu.memory_space<hbm>>
      %dma_start3A_68 = tpu.memref_squeeze %dma_start3A_67 : memref<1x1x16x125xi32, #tpu.memory_space<hbm>> -> memref<16x125xi32, #tpu.memory_space<hbm>>
      %dma_start3A_69 = arith.constant 0 : i32
      %dma_start3A_70 = arith.constant 0 : i32
      %dma_start3A_71 = tpu.memref_slice %arg2[%add3A, %scan3A_65, %dma_start3A_69, %dma_start3A_70] : memref<32x5x16x125xi32, #tpu.memory_space<hbm>> -> memref<1x1x16x125xi32, #tpu.memory_space<hbm>>
      %dma_start3A_72 = tpu.memref_squeeze %dma_start3A_71 : memref<1x1x16x125xi32, #tpu.memory_space<hbm>> -> memref<16x125xi32, #tpu.memory_space<hbm>>
      tpu.enqueue_dma source(%dma_start3A_72 : memref<16x125xi32, #tpu.memory_space<hbm>>) target(%arg4 : memref<16x125xi32, #tpu.memory_space<vmem>>) target_semaphore(%arg8 : memref<!tpu.dma_semaphore, #tpu.memory_space<semaphore_mem>>)
      %dma_wait3A = arith.constant 0 : i32
      %dma_wait3A_73 = arith.constant 0 : i32
      %dma_wait3A_74 = tpu.memref_slice %arg2[%add3A, %scan3A_65, %dma_wait3A, %dma_wait3A_73] : memref<32x5x16x125xi32, #tpu.memory_space<hbm>> -> memref<1x1x16x125xi32, #tpu.memory_space<hbm>>
      %dma_wait3A_75 = tpu.memref_squeeze %dma_wait3A_74 : memref<1x1x16x125xi32, #tpu.memory_space<hbm>> -> memref<16x125xi32, #tpu.memory_space<hbm>>
      %dma_wait3A_76 = arith.constant 0 : i32
      %dma_wait3A_77 = arith.constant 0 : i32
      %dma_wait3A_78 = tpu.memref_slice %arg2[%add3A, %scan3A_65, %dma_wait3A_76, %dma_wait3A_77] : memref<32x5x16x125xi32, #tpu.memory_space<hbm>> -> memref<1x1x16x125xi32, #tpu.memory_space<hbm>>
      %dma_wait3A_79 = tpu.memref_squeeze %dma_wait3A_78 : memref<1x1x16x125xi32, #tpu.memory_space<hbm>> -> memref<16x125xi32, #tpu.memory_space<hbm>>
      tpu.wait_dma2 semaphore(%arg8 : memref<!tpu.dma_semaphore, #tpu.memory_space<semaphore_mem>>) src(%dma_wait3A_79 : memref<16x125xi32, #tpu.memory_space<hbm>>) dst(%arg4 : memref<16x125xi32, #tpu.memory_space<vmem>>)
      %scan3A_80 = arith.constant 0 : i32
      %scan3A_81 = arith.constant 16 : i32
      %scan3A_82 = arith.addi %scan3A_80, %scan3A_81 : i32
      %scan3A_83 = arith.constant 1 : i32
      scf.for %scan3A_85 = %scan3A_80 to %scan3A_82 step %scan3A_83  : i32 {
        "tpu.region"() ({
          %run_scoped3A = tpu.sem_alloc : memref<!tpu.dma_semaphore, #tpu.memory_space<semaphore_mem>>
          %dma_start3A_86 = arith.constant 0 : i32
          %dma_start3A_87 = tpu.memref_slice %arg5[%dma_start3A_86] : memref<128xf32, #tpu.memory_space<vmem>> -> memref<125xf32, #tpu.memory_space<vmem>>
          %dma_start3A_88 = arith.constant 0 : i32
          %dma_start3A_89 = tpu.memref_slice %arg4[%scan3A_85, %dma_start3A_88] : memref<16x125xi32, #tpu.memory_space<vmem>> -> memref<1x125xi32, #tpu.memory_space<vmem>>
          %dma_start3A_90 = tpu.memref_squeeze %dma_start3A_89 : memref<1x125xi32, #tpu.memory_space<vmem>> -> memref<125xi32, #tpu.memory_space<vmem>>
          %dma_start3A_91 = arith.constant 0 : i32
          %dma_start3A_92 = tpu.memref_slice %arg7[%dma_start3A_91] : memref<10240xf32, #tpu.memory_space<vmem_shared>> -> memref<10240xf32, #tpu.memory_space<vmem_shared>>
          tpu.enqueue_indirect_dma source(%dma_start3A_87 : memref<125xf32, #tpu.memory_space<vmem>>) target(%dma_start3A_92 : memref<10240xf32, #tpu.memory_space<vmem_shared>>) offsets(%dma_start3A_90 : memref<125xi32, #tpu.memory_space<vmem>>) semaphore(%run_scoped3A : memref<!tpu.dma_semaphore, #tpu.memory_space<semaphore_mem>>) {add = true}
          %dma_wait3A_93 = arith.constant 0 : i32
          %dma_wait3A_94 = tpu.memref_slice %arg5[%dma_wait3A_93] : memref<128xf32, #tpu.memory_space<vmem>> -> memref<125xf32, #tpu.memory_space<vmem>>
          %dma_wait3A_95 = arith.constant 0 : i32
          %dma_wait3A_96 = tpu.memref_slice %arg4[%scan3A_85, %dma_wait3A_95] : memref<16x125xi32, #tpu.memory_space<vmem>> -> memref<1x125xi32, #tpu.memory_space<vmem>>
          %dma_wait3A_97 = tpu.memref_squeeze %dma_wait3A_96 : memref<1x125xi32, #tpu.memory_space<vmem>> -> memref<125xi32, #tpu.memory_space<vmem>>
          %dma_wait3A_98 = arith.constant 0 : i32
          %dma_wait3A_99 = tpu.memref_slice %arg7[%dma_wait3A_98] : memref<10240xf32, #tpu.memory_space<vmem_shared>> -> memref<10240xf32, #tpu.memory_space<vmem_shared>>
          tpu.wait_indirect_dma semaphore(%run_scoped3A : memref<!tpu.dma_semaphore, #tpu.memory_space<semaphore_mem>>) src(%dma_wait3A_94 : memref<125xf32, #tpu.memory_space<vmem>>) dst(%dma_wait3A_99 : memref<10240xf32, #tpu.memory_space<vmem_shared>>)
          tpu.yield
        }) : () -> ()
      }
      %scan3A_84 = arith.constant 16 : i32
    }
    %scan3A_59 = arith.constant 5 : i32
    %barrier3A_60 = arith.constant 0 : index
    tpu.barrier barrier_id(%barrier3A_60)
    %mul3A_61 = arith.constant 640 : i32
    %mul3A_62 = arith.muli %arg1, %mul3A_61 : i32
    %mul3A_63 = arith.constant 640 : i32
    %mul3A_64 = arith.muli %arg1, %mul3A_63 : i32
    "tpu.region"() ({
      %run_scoped3A = tpu.sem_alloc : memref<!tpu.dma_semaphore, #tpu.memory_space<semaphore_mem>>
      %dma_start3A = tpu.memref_slice %arg3[%arg0, %mul3A_64] : memref<2x10240xf32, #tpu.memory_space<hbm>> -> memref<1x640xf32, #tpu.memory_space<hbm>>
      %dma_start3A_65 = tpu.memref_squeeze %dma_start3A : memref<1x640xf32, #tpu.memory_space<hbm>> -> memref<640xf32, #tpu.memory_space<hbm>>
      %dma_start3A_66 = tpu.memref_slice %arg7[%mul3A_62] : memref<10240xf32, #tpu.memory_space<vmem_shared>> -> memref<640xf32, #tpu.memory_space<vmem_shared>>
      tpu.enqueue_dma source(%dma_start3A_66 : memref<640xf32, #tpu.memory_space<vmem_shared>>) target(%dma_start3A_65 : memref<640xf32, #tpu.memory_space<hbm>>) target_semaphore(%run_scoped3A : memref<!tpu.dma_semaphore, #tpu.memory_space<semaphore_mem>>)
      %dma_wait3A = tpu.memref_slice %arg3[%arg0, %mul3A_64] : memref<2x10240xf32, #tpu.memory_space<hbm>> -> memref<1x640xf32, #tpu.memory_space<hbm>>
      %dma_wait3A_67 = tpu.memref_squeeze %dma_wait3A : memref<1x640xf32, #tpu.memory_space<hbm>> -> memref<640xf32, #tpu.memory_space<hbm>>
      %dma_wait3A_68 = tpu.memref_slice %arg7[%mul3A_62] : memref<10240xf32, #tpu.memory_space<vmem_shared>> -> memref<640xf32, #tpu.memory_space<vmem_shared>>
      tpu.wait_dma2 semaphore(%run_scoped3A : memref<!tpu.dma_semaphore, #tpu.memory_space<semaphore_mem>>) src(%dma_wait3A_68 : memref<640xf32, #tpu.memory_space<vmem_shared>>) dst(%dma_wait3A_67 : memref<640xf32, #tpu.memory_space<hbm>>)
      tpu.yield
    }) : () -> ()
    return
  }
}

#map = affine_map<(d0, d1) -> (0, 0, 0, 0)>
#map1 = affine_map<(d0, d1) -> (0, 0)>
#map2 = affine_map<(d0, d1) -> (0, 0, 0)>
module attributes {stable_mosaic.version = 14 : i64} {
  func.func @edge_kernel(%arg0: i32, %arg1: i32, %arg2: memref<32x5x16x125xi32, #tpu.memory_space<hbm>>, %arg3: memref<32x5x16x125xi32, #tpu.memory_space<hbm>>, %arg4: memref<10000x128xf32, #tpu.memory_space<hbm>>, %arg5: memref<2x10240x128xf32, #tpu.memory_space<hbm>>, %arg6: memref<2x16x125xi32, #tpu.memory_space<vmem>>, %arg7: memref<2x16x125xi32, #tpu.memory_space<vmem>>, %arg8: memref<125x128xf32, #tpu.memory_space<vmem>>, %arg9: memref<125x128xf32, #tpu.memory_space<vmem>>, %arg10: memref<32x128xf32, #tpu.memory_space<vmem>>, %arg11: memref<10240x128xf32, #tpu.memory_space<vmem_shared>>, %arg12: memref<!tpu.dma_semaphore, #tpu.memory_space<semaphore_mem>>, %arg13: memref<!tpu.dma_semaphore, #tpu.memory_space<semaphore_mem>>, %arg14: memref<!tpu.dma_semaphore, #tpu.memory_space<semaphore_mem>>) attributes {dimension_semantics = [#tpu.dimension_semantics<core_parallel>, #tpu.dimension_semantics<subcore_parallel>], iteration_bounds = array<i64: 2, 16>, scalar_prefetch = 0 : i64, scratch_operands = 9 : i64, tpu.core_type = #tpu.core_type<sc_vector_subcore>, window_params = [{transform_indices = #map}, {transform_indices = #map}, {transform_indices = #map1}, {transform_indices = #map2}]} {
    %mul3A = arith.constant 2 : i32
    %mul3A_0 = arith.muli %arg1, %mul3A : i32
    %add3A = arith.addi %mul3A_0, %arg0 : i32
    %scan3A = arith.constant 0 : i32
    %scan3A_1 = arith.constant 0 : i32
    %scan3A_2 = arith.constant 32 : i32
    %scan3A_3 = arith.addi %scan3A_1, %scan3A_2 : i32
    %scan3A_4 = arith.constant 1 : i32
    scf.for %scan3A_58 = %scan3A_1 to %scan3A_3 step %scan3A_4  : i32 {
      %broadcast_in_dim3A = arith.constant 0.000000e+00 : f32
      %broadcast_in_dim3A_59 = vector.broadcast %broadcast_in_dim3A : f32 to vector<16xf32>
      %swap3A = arith.index_cast %scan3A_58 : i32 to index
      %swap3A_60 = arith.constant 0 : index
      %swap3A_61 = tpu.vector_load %arg10[%swap3A, %swap3A_60] {strides = array<i32>} : memref<32x128xf32, #tpu.memory_space<vmem>>, vector<1x16xf32>,
      %swap3A_62 = vector.shape_cast %swap3A_61 : vector<1x16xf32> to vector<16xf32>
      %swap3A_63 = vector.shape_cast %broadcast_in_dim3A_59 : vector<16xf32> to vector<1x16xf32>
      tpu.vector_store %arg10[%swap3A, %swap3A_60], %swap3A_63 {strides = array<i32>} : memref<32x128xf32, #tpu.memory_space<vmem>>, vector<1x16xf32>,
      %broadcast_in_dim3A_64 = arith.constant 0.000000e+00 : f32
      %broadcast_in_dim3A_65 = vector.broadcast %broadcast_in_dim3A_64 : f32 to vector<16xf32>
      %swap3A_66 = arith.index_cast %scan3A_58 : i32 to index
      %swap3A_67 = arith.constant 16 : index
      %swap3A_68 = tpu.vector_load %arg10[%swap3A_66, %swap3A_67] {strides = array<i32>} : memref<32x128xf32, #tpu.memory_space<vmem>>, vector<1x16xf32>,
      %swap3A_69 = vector.shape_cast %swap3A_68 : vector<1x16xf32> to vector<16xf32>
      %swap3A_70 = vector.shape_cast %broadcast_in_dim3A_65 : vector<16xf32> to vector<1x16xf32>
      tpu.vector_store %arg10[%swap3A_66, %swap3A_67], %swap3A_70 {strides = array<i32>} : memref<32x128xf32, #tpu.memory_space<vmem>>, vector<1x16xf32>,
      %broadcast_in_dim3A_71 = arith.constant 0.000000e+00 : f32
      %broadcast_in_dim3A_72 = vector.broadcast %broadcast_in_dim3A_71 : f32 to vector<16xf32>
      %swap3A_73 = arith.index_cast %scan3A_58 : i32 to index
      %swap3A_74 = arith.constant 32 : index
      %swap3A_75 = tpu.vector_load %arg10[%swap3A_73, %swap3A_74] {strides = array<i32>} : memref<32x128xf32, #tpu.memory_space<vmem>>, vector<1x16xf32>,
      %swap3A_76 = vector.shape_cast %swap3A_75 : vector<1x16xf32> to vector<16xf32>
      %swap3A_77 = vector.shape_cast %broadcast_in_dim3A_72 : vector<16xf32> to vector<1x16xf32>
      tpu.vector_store %arg10[%swap3A_73, %swap3A_74], %swap3A_77 {strides = array<i32>} : memref<32x128xf32, #tpu.memory_space<vmem>>, vector<1x16xf32>,
      %broadcast_in_dim3A_78 = arith.constant 0.000000e+00 : f32
      %broadcast_in_dim3A_79 = vector.broadcast %broadcast_in_dim3A_78 : f32 to vector<16xf32>
      %swap3A_80 = arith.index_cast %scan3A_58 : i32 to index
      %swap3A_81 = arith.constant 48 : index
      %swap3A_82 = tpu.vector_load %arg10[%swap3A_80, %swap3A_81] {strides = array<i32>} : memref<32x128xf32, #tpu.memory_space<vmem>>, vector<1x16xf32>,
      %swap3A_83 = vector.shape_cast %swap3A_82 : vector<1x16xf32> to vector<16xf32>
      %swap3A_84 = vector.shape_cast %broadcast_in_dim3A_79 : vector<16xf32> to vector<1x16xf32>
      tpu.vector_store %arg10[%swap3A_80, %swap3A_81], %swap3A_84 {strides = array<i32>} : memref<32x128xf32, #tpu.memory_space<vmem>>, vector<1x16xf32>,
      %broadcast_in_dim3A_85 = arith.constant 0.000000e+00 : f32
      %broadcast_in_dim3A_86 = vector.broadcast %broadcast_in_dim3A_85 : f32 to vector<16xf32>
      %swap3A_87 = arith.index_cast %scan3A_58 : i32 to index
      %swap3A_88 = arith.constant 64 : index
      %swap3A_89 = tpu.vector_load %arg10[%swap3A_87, %swap3A_88] {strides = array<i32>} : memref<32x128xf32, #tpu.memory_space<vmem>>, vector<1x16xf32>,
      %swap3A_90 = vector.shape_cast %swap3A_89 : vector<1x16xf32> to vector<16xf32>
      %swap3A_91 = vector.shape_cast %broadcast_in_dim3A_86 : vector<16xf32> to vector<1x16xf32>
      tpu.vector_store %arg10[%swap3A_87, %swap3A_88], %swap3A_91 {strides = array<i32>} : memref<32x128xf32, #tpu.memory_space<vmem>>, vector<1x16xf32>,
      %broadcast_in_dim3A_92 = arith.constant 0.000000e+00 : f32
      %broadcast_in_dim3A_93 = vector.broadcast %broadcast_in_dim3A_92 : f32 to vector<16xf32>
      %swap3A_94 = arith.index_cast %scan3A_58 : i32 to index
      %swap3A_95 = arith.constant 80 : index
      %swap3A_96 = tpu.vector_load %arg10[%swap3A_94, %swap3A_95] {strides = array<i32>} : memref<32x128xf32, #tpu.memory_space<vmem>>, vector<1x16xf32>,
      %swap3A_97 = vector.shape_cast %swap3A_96 : vector<1x16xf32> to vector<16xf32>
      %swap3A_98 = vector.shape_cast %broadcast_in_dim3A_93 : vector<16xf32> to vector<1x16xf32>
      tpu.vector_store %arg10[%swap3A_94, %swap3A_95], %swap3A_98 {strides = array<i32>} : memref<32x128xf32, #tpu.memory_space<vmem>>, vector<1x16xf32>,
      %broadcast_in_dim3A_99 = arith.constant 0.000000e+00 : f32
      %broadcast_in_dim3A_100 = vector.broadcast %broadcast_in_dim3A_99 : f32 to vector<16xf32>
      %swap3A_101 = arith.index_cast %scan3A_58 : i32 to index
      %swap3A_102 = arith.constant 96 : index
      %swap3A_103 = tpu.vector_load %arg10[%swap3A_101, %swap3A_102] {strides = array<i32>} : memref<32x128xf32, #tpu.memory_space<vmem>>, vector<1x16xf32>,
      %swap3A_104 = vector.shape_cast %swap3A_103 : vector<1x16xf32> to vector<16xf32>
      %swap3A_105 = vector.shape_cast %broadcast_in_dim3A_100 : vector<16xf32> to vector<1x16xf32>
      tpu.vector_store %arg10[%swap3A_101, %swap3A_102], %swap3A_105 {strides = array<i32>} : memref<32x128xf32, #tpu.memory_space<vmem>>, vector<1x16xf32>,
      %broadcast_in_dim3A_106 = arith.constant 0.000000e+00 : f32
      %broadcast_in_dim3A_107 = vector.broadcast %broadcast_in_dim3A_106 : f32 to vector<16xf32>
      %swap3A_108 = arith.index_cast %scan3A_58 : i32 to index
      %swap3A_109 = arith.constant 112 : index
      %swap3A_110 = tpu.vector_load %arg10[%swap3A_108, %swap3A_109] {strides = array<i32>} : memref<32x128xf32, #tpu.memory_space<vmem>>, vector<1x16xf32>,
      %swap3A_111 = vector.shape_cast %swap3A_110 : vector<1x16xf32> to vector<16xf32>
      %swap3A_112 = vector.shape_cast %broadcast_in_dim3A_107 : vector<16xf32> to vector<1x16xf32>
      tpu.vector_store %arg10[%swap3A_108, %swap3A_109], %swap3A_112 {strides = array<i32>} : memref<32x128xf32, #tpu.memory_space<vmem>>, vector<1x16xf32>,
    }
    %scan3A_5 = arith.constant 32 : i32
    %dma_start3A = arith.constant 0 : i32
    %dma_start3A_6 = arith.constant 0 : i32
    %dma_start3A_7 = arith.constant 0 : i32
    %dma_start3A_8 = arith.constant 0 : i32
    %dma_start3A_9 = tpu.memref_slice %arg6[%dma_start3A_6, %dma_start3A_7, %dma_start3A_8] : memref<2x16x125xi32, #tpu.memory_space<vmem>> -> memref<1x16x125xi32, #tpu.memory_space<vmem>>
    %dma_start3A_10 = tpu.memref_squeeze %dma_start3A_9 : memref<1x16x125xi32, #tpu.memory_space<vmem>> -> memref<16x125xi32, #tpu.memory_space<vmem>>
    %dma_start3A_11 = arith.constant 0 : i32
    %dma_start3A_12 = arith.constant 0 : i32
    %dma_start3A_13 = tpu.memref_slice %arg2[%add3A, %dma_start3A, %dma_start3A_11, %dma_start3A_12] : memref<32x5x16x125xi32, #tpu.memory_space<hbm>> -> memref<1x1x16x125xi32, #tpu.memory_space<hbm>>
    %dma_start3A_14 = tpu.memref_squeeze %dma_start3A_13 : memref<1x1x16x125xi32, #tpu.memory_space<hbm>> -> memref<16x125xi32, #tpu.memory_space<hbm>>
    %dma_start3A_15 = arith.constant 0 : i32
    %dma_start3A_16 = arith.constant 0 : i32
    %dma_start3A_17 = tpu.memref_slice %arg6[%dma_start3A_6, %dma_start3A_15, %dma_start3A_16] : memref<2x16x125xi32, #tpu.memory_space<vmem>> -> memref<1x16x125xi32, #tpu.memory_space<vmem>>
    %dma_start3A_18 = tpu.memref_squeeze %dma_start3A_17 : memref<1x16x125xi32, #tpu.memory_space<vmem>> -> memref<16x125xi32, #tpu.memory_space<vmem>>
    %dma_start3A_19 = arith.constant 0 : i32
    %dma_start3A_20 = arith.constant 0 : i32
    %dma_start3A_21 = tpu.memref_slice %arg2[%add3A, %dma_start3A, %dma_start3A_19, %dma_start3A_20] : memref<32x5x16x125xi32, #tpu.memory_space<hbm>> -> memref<1x1x16x125xi32, #tpu.memory_space<hbm>>
    %dma_start3A_22 = tpu.memref_squeeze %dma_start3A_21 : memref<1x1x16x125xi32, #tpu.memory_space<hbm>> -> memref<16x125xi32, #tpu.memory_space<hbm>>
    tpu.enqueue_dma source(%dma_start3A_22 : memref<16x125xi32, #tpu.memory_space<hbm>>) target(%dma_start3A_18 : memref<16x125xi32, #tpu.memory_space<vmem>>) target_semaphore(%arg12 : memref<!tpu.dma_semaphore, #tpu.memory_space<semaphore_mem>>)
    %dma_start3A_23 = arith.constant 0 : i32
    %dma_start3A_24 = arith.constant 0 : i32
    %dma_start3A_25 = arith.constant 0 : i32
    %dma_start3A_26 = arith.constant 0 : i32
    %dma_start3A_27 = tpu.memref_slice %arg7[%dma_start3A_24, %dma_start3A_25, %dma_start3A_26] : memref<2x16x125xi32, #tpu.memory_space<vmem>> -> memref<1x16x125xi32, #tpu.memory_space<vmem>>
    %dma_start3A_28 = tpu.memref_squeeze %dma_start3A_27 : memref<1x16x125xi32, #tpu.memory_space<vmem>> -> memref<16x125xi32, #tpu.memory_space<vmem>>
    %dma_start3A_29 = arith.constant 0 : i32
    %dma_start3A_30 = arith.constant 0 : i32
    %dma_start3A_31 = tpu.memref_slice %arg3[%add3A, %dma_start3A_23, %dma_start3A_29, %dma_start3A_30] : memref<32x5x16x125xi32, #tpu.memory_space<hbm>> -> memref<1x1x16x125xi32, #tpu.memory_space<hbm>>
    %dma_start3A_32 = tpu.memref_squeeze %dma_start3A_31 : memref<1x1x16x125xi32, #tpu.memory_space<hbm>> -> memref<16x125xi32, #tpu.memory_space<hbm>>
    %dma_start3A_33 = arith.constant 0 : i32
    %dma_start3A_34 = arith.constant 0 : i32
    %dma_start3A_35 = tpu.memref_slice %arg7[%dma_start3A_24, %dma_start3A_33, %dma_start3A_34] : memref<2x16x125xi32, #tpu.memory_space<vmem>> -> memref<1x16x125xi32, #tpu.memory_space<vmem>>
    %dma_start3A_36 = tpu.memref_squeeze %dma_start3A_35 : memref<1x16x125xi32, #tpu.memory_space<vmem>> -> memref<16x125xi32, #tpu.memory_space<vmem>>
    %dma_start3A_37 = arith.constant 0 : i32
    %dma_start3A_38 = arith.constant 0 : i32
    %dma_start3A_39 = tpu.memref_slice %arg3[%add3A, %dma_start3A_23, %dma_start3A_37, %dma_start3A_38] : memref<32x5x16x125xi32, #tpu.memory_space<hbm>> -> memref<1x1x16x125xi32, #tpu.memory_space<hbm>>
    %dma_start3A_40 = tpu.memref_squeeze %dma_start3A_39 : memref<1x1x16x125xi32, #tpu.memory_space<hbm>> -> memref<16x125xi32, #tpu.memory_space<hbm>>
    tpu.enqueue_dma source(%dma_start3A_40 : memref<16x125xi32, #tpu.memory_space<hbm>>) target(%dma_start3A_36 : memref<16x125xi32, #tpu.memory_space<vmem>>) target_semaphore(%arg12 : memref<!tpu.dma_semaphore, #tpu.memory_space<semaphore_mem>>)
    %scan3A_41 = arith.constant 0 : i32
    %scan3A_42 = arith.constant 0 : i32
    %scan3A_43 = arith.constant 20 : i32
    %scan3A_44 = arith.addi %scan3A_42, %scan3A_43 : i32
    %scan3A_45 = arith.constant 1 : i32
    scf.for %scan3A_58 = %scan3A_42 to %scan3A_44 step %scan3A_45  : i32 {
      %mul3A_59 = arith.constant 640 : i32
      %mul3A_60 = arith.muli %arg1, %mul3A_59 : i32
      %mul3A_61 = arith.constant 32 : i32
      %mul3A_62 = arith.muli %scan3A_58, %mul3A_61 : i32
      %add3A_63 = arith.addi %mul3A_60, %mul3A_62 : i32
      "tpu.region"() ({
        %run_scoped3A = tpu.sem_alloc : memref<!tpu.dma_semaphore, #tpu.memory_space<semaphore_mem>>
        %dma_start3A_64 = arith.constant 0 : i32
        %dma_start3A_65 = tpu.memref_slice %arg11[%add3A_63, %dma_start3A_64] : memref<10240x128xf32, #tpu.memory_space<vmem_shared>> -> memref<32x128xf32, #tpu.memory_space<vmem_shared>>
        %dma_start3A_66 = arith.constant 0 : i32
        %dma_start3A_67 = tpu.memref_slice %arg11[%add3A_63, %dma_start3A_66] : memref<10240x128xf32, #tpu.memory_space<vmem_shared>> -> memref<32x128xf32, #tpu.memory_space<vmem_shared>>
        tpu.enqueue_dma source(%arg10 : memref<32x128xf32, #tpu.memory_space<vmem>>) target(%dma_start3A_67 : memref<32x128xf32, #tpu.memory_space<vmem_shared>>) target_semaphore(%run_scoped3A : memref<!tpu.dma_semaphore, #tpu.memory_space<semaphore_mem>>)
        %dma_wait3A = arith.constant 0 : i32
        %dma_wait3A_68 = tpu.memref_slice %arg11[%add3A_63, %dma_wait3A] : memref<10240x128xf32, #tpu.memory_space<vmem_shared>> -> memref<32x128xf32, #tpu.memory_space<vmem_shared>>
        %dma_wait3A_69 = arith.constant 0 : i32
        %dma_wait3A_70 = tpu.memref_slice %arg11[%add3A_63, %dma_wait3A_69] : memref<10240x128xf32, #tpu.memory_space<vmem_shared>> -> memref<32x128xf32, #tpu.memory_space<vmem_shared>>
        tpu.wait_dma2 semaphore(%run_scoped3A : memref<!tpu.dma_semaphore, #tpu.memory_space<semaphore_mem>>) src(%arg10 : memref<32x128xf32, #tpu.memory_space<vmem>>) dst(%dma_wait3A_70 : memref<32x128xf32, #tpu.memory_space<vmem_shared>>)
        tpu.yield
      }) : () -> ()
    }
    %scan3A_46 = arith.constant 20 : i32
    %barrier3A = arith.constant 0 : index
    tpu.barrier barrier_id(%barrier3A)
    %scan3A_47 = arith.constant 0 : i32
    %scan3A_48 = arith.constant 0 : i32
    %scan3A_49 = arith.constant 5 : i32
    %scan3A_50 = arith.addi %scan3A_48, %scan3A_49 : i32
    %scan3A_51 = arith.constant 1 : i32
    scf.for %scan3A_58 = %scan3A_48 to %scan3A_50 step %scan3A_51  : i32 {
      %jit3A = arith.constant 2 : i32
      %eq3A = arith.constant 0 : i32
      %eq3A_59 = arith.cmpi eq, %jit3A, %eq3A : i32
      %jit3A_60 = arith.constant 1 : i32
      %select_n3A = arith.select %eq3A_59, %jit3A_60, %jit3A : i32
      %rem3A = arith.remsi %scan3A_58, %select_n3A : i32
      %ne3A = arith.constant 0 : i32
      %ne3A_61 = arith.cmpi ne, %rem3A, %ne3A : i32
      %lt3A = arith.constant 0 : i32
      %lt3A_62 = arith.cmpi slt, %rem3A, %lt3A : i32
      %lt3A_63 = arith.constant 0 : i32
      %lt3A_64 = arith.cmpi slt, %select_n3A, %lt3A_63 : i32
      %ne3A_65 = arith.xori %lt3A_62, %lt3A_64 : i1
      %and3A = arith.andi %ne3A_65, %ne3A_61 : i1
      %add3A_66 = arith.addi %rem3A, %select_n3A : i32
      %select_n3A_67 = arith.select %and3A, %add3A_66, %rem3A : i32
      %dma_wait3A = arith.constant 0 : i32
      %dma_wait3A_68 = arith.constant 0 : i32
      %dma_wait3A_69 = arith.constant 0 : i32
      %dma_wait3A_70 = arith.constant 0 : i32
      %dma_wait3A_71 = tpu.memref_slice %arg6[%dma_wait3A_68, %dma_wait3A_69, %dma_wait3A_70] : memref<2x16x125xi32, #tpu.memory_space<vmem>> -> memref<1x16x125xi32, #tpu.memory_space<vmem>>
      %dma_wait3A_72 = tpu.memref_squeeze %dma_wait3A_71 : memref<1x16x125xi32, #tpu.memory_space<vmem>> -> memref<16x125xi32, #tpu.memory_space<vmem>>
      %dma_wait3A_73 = arith.constant 0 : i32
      %dma_wait3A_74 = arith.constant 0 : i32
      %dma_wait3A_75 = tpu.memref_slice %arg2[%add3A, %dma_wait3A, %dma_wait3A_73, %dma_wait3A_74] : memref<32x5x16x125xi32, #tpu.memory_space<hbm>> -> memref<1x1x16x125xi32, #tpu.memory_space<hbm>>
      %dma_wait3A_76 = tpu.memref_squeeze %dma_wait3A_75 : memref<1x1x16x125xi32, #tpu.memory_space<hbm>> -> memref<16x125xi32, #tpu.memory_space<hbm>>
      %dma_wait3A_77 = arith.constant 0 : i32
      %dma_wait3A_78 = arith.constant 0 : i32
      %dma_wait3A_79 = tpu.memref_slice %arg6[%dma_wait3A_68, %dma_wait3A_77, %dma_wait3A_78] : memref<2x16x125xi32, #tpu.memory_space<vmem>> -> memref<1x16x125xi32, #tpu.memory_space<vmem>>
      %dma_wait3A_80 = tpu.memref_squeeze %dma_wait3A_79 : memref<1x16x125xi32, #tpu.memory_space<vmem>> -> memref<16x125xi32, #tpu.memory_space<vmem>>
      %dma_wait3A_81 = arith.constant 0 : i32
      %dma_wait3A_82 = arith.constant 0 : i32
      %dma_wait3A_83 = tpu.memref_slice %arg2[%add3A, %dma_wait3A, %dma_wait3A_81, %dma_wait3A_82] : memref<32x5x16x125xi32, #tpu.memory_space<hbm>> -> memref<1x1x16x125xi32, #tpu.memory_space<hbm>>
      %dma_wait3A_84 = tpu.memref_squeeze %dma_wait3A_83 : memref<1x1x16x125xi32, #tpu.memory_space<hbm>> -> memref<16x125xi32, #tpu.memory_space<hbm>>
      tpu.wait_dma2 semaphore(%arg12 : memref<!tpu.dma_semaphore, #tpu.memory_space<semaphore_mem>>) src(%dma_wait3A_84 : memref<16x125xi32, #tpu.memory_space<hbm>>) dst(%dma_wait3A_80 : memref<16x125xi32, #tpu.memory_space<vmem>>)
      %dma_wait3A_85 = arith.constant 0 : i32
      %dma_wait3A_86 = arith.constant 0 : i32
      %dma_wait3A_87 = arith.constant 0 : i32
      %dma_wait3A_88 = arith.constant 0 : i32
      %dma_wait3A_89 = tpu.memref_slice %arg7[%dma_wait3A_86, %dma_wait3A_87, %dma_wait3A_88] : memref<2x16x125xi32, #tpu.memory_space<vmem>> -> memref<1x16x125xi32, #tpu.memory_space<vmem>>
      %dma_wait3A_90 = tpu.memref_squeeze %dma_wait3A_89 : memref<1x16x125xi32, #tpu.memory_space<vmem>> -> memref<16x125xi32, #tpu.memory_space<vmem>>
      %dma_wait3A_91 = arith.constant 0 : i32
      %dma_wait3A_92 = arith.constant 0 : i32
      %dma_wait3A_93 = tpu.memref_slice %arg3[%add3A, %dma_wait3A_85, %dma_wait3A_91, %dma_wait3A_92] : memref<32x5x16x125xi32, #tpu.memory_space<hbm>> -> memref<1x1x16x125xi32, #tpu.memory_space<hbm>>
      %dma_wait3A_94 = tpu.memref_squeeze %dma_wait3A_93 : memref<1x1x16x125xi32, #tpu.memory_space<hbm>> -> memref<16x125xi32, #tpu.memory_space<hbm>>
      %dma_wait3A_95 = arith.constant 0 : i32
      %dma_wait3A_96 = arith.constant 0 : i32
      %dma_wait3A_97 = tpu.memref_slice %arg7[%dma_wait3A_86, %dma_wait3A_95, %dma_wait3A_96] : memref<2x16x125xi32, #tpu.memory_space<vmem>> -> memref<1x16x125xi32, #tpu.memory_space<vmem>>
      %dma_wait3A_98 = tpu.memref_squeeze %dma_wait3A_97 : memref<1x16x125xi32, #tpu.memory_space<vmem>> -> memref<16x125xi32, #tpu.memory_space<vmem>>
      %dma_wait3A_99 = arith.constant 0 : i32
      %dma_wait3A_100 = arith.constant 0 : i32
      %dma_wait3A_101 = tpu.memref_slice %arg3[%add3A, %dma_wait3A_85, %dma_wait3A_99, %dma_wait3A_100] : memref<32x5x16x125xi32, #tpu.memory_space<hbm>> -> memref<1x1x16x125xi32, #tpu.memory_space<hbm>>
      %dma_wait3A_102 = tpu.memref_squeeze %dma_wait3A_101 : memref<1x1x16x125xi32, #tpu.memory_space<hbm>> -> memref<16x125xi32, #tpu.memory_space<hbm>>
      tpu.wait_dma2 semaphore(%arg12 : memref<!tpu.dma_semaphore, #tpu.memory_space<semaphore_mem>>) src(%dma_wait3A_102 : memref<16x125xi32, #tpu.memory_space<hbm>>) dst(%dma_wait3A_98 : memref<16x125xi32, #tpu.memory_space<vmem>>)
      %lt3A_103 = arith.constant 4 : i32
      %lt3A_104 = arith.cmpi slt, %scan3A_58, %lt3A_103 : i32
      %convert_element_type3A = arith.extui %lt3A_104 : i1 to i32
      %cond3A = arith.constant 0 : i32
      %cond3A_105 = arith.cmpi ne, %convert_element_type3A, %cond3A : i32
      scf.if %cond3A_105 {
        %add3A_118 = arith.constant 1 : i32
        %add3A_119 = arith.addi %scan3A_58, %add3A_118 : i32
        %sub3A = arith.constant 1 : i32
        %sub3A_120 = arith.subi %sub3A, %select_n3A_67 : i32
        %dma_start3A_121 = arith.constant 0 : i32
        %dma_start3A_122 = arith.constant 0 : i32
        %dma_start3A_123 = tpu.memref_slice %arg6[%sub3A_120, %dma_start3A_121, %dma_start3A_122] : memref<2x16x125xi32, #tpu.memory_space<vmem>> -> memref<1x16x125xi32, #tpu.memory_space<vmem>>
        %dma_start3A_124 = tpu.memref_squeeze %dma_start3A_123 : memref<1x16x125xi32, #tpu.memory_space<vmem>> -> memref<16x125xi32, #tpu.memory_space<vmem>>
        %dma_start3A_125 = arith.constant 0 : i32
        %dma_start3A_126 = arith.constant 0 : i32
        %dma_start3A_127 = tpu.memref_slice %arg2[%add3A, %add3A_119, %dma_start3A_125, %dma_start3A_126] : memref<32x5x16x125xi32, #tpu.memory_space<hbm>> -> memref<1x1x16x125xi32, #tpu.memory_space<hbm>>
        %dma_start3A_128 = tpu.memref_squeeze %dma_start3A_127 : memref<1x1x16x125xi32, #tpu.memory_space<hbm>> -> memref<16x125xi32, #tpu.memory_space<hbm>>
        %dma_start3A_129 = arith.constant 0 : i32
        %dma_start3A_130 = arith.constant 0 : i32
        %dma_start3A_131 = tpu.memref_slice %arg6[%sub3A_120, %dma_start3A_129, %dma_start3A_130] : memref<2x16x125xi32, #tpu.memory_space<vmem>> -> memref<1x16x125xi32, #tpu.memory_space<vmem>>
        %dma_start3A_132 = tpu.memref_squeeze %dma_start3A_131 : memref<1x16x125xi32, #tpu.memory_space<vmem>> -> memref<16x125xi32, #tpu.memory_space<vmem>>
        %dma_start3A_133 = arith.constant 0 : i32
        %dma_start3A_134 = arith.constant 0 : i32
        %dma_start3A_135 = tpu.memref_slice %arg2[%add3A, %add3A_119, %dma_start3A_133, %dma_start3A_134] : memref<32x5x16x125xi32, #tpu.memory_space<hbm>> -> memref<1x1x16x125xi32, #tpu.memory_space<hbm>>
        %dma_start3A_136 = tpu.memref_squeeze %dma_start3A_135 : memref<1x1x16x125xi32, #tpu.memory_space<hbm>> -> memref<16x125xi32, #tpu.memory_space<hbm>>
        tpu.enqueue_dma source(%dma_start3A_136 : memref<16x125xi32, #tpu.memory_space<hbm>>) target(%dma_start3A_132 : memref<16x125xi32, #tpu.memory_space<vmem>>) target_semaphore(%arg12 : memref<!tpu.dma_semaphore, #tpu.memory_space<semaphore_mem>>)
        %dma_start3A_137 = arith.constant 0 : i32
        %dma_start3A_138 = arith.constant 0 : i32
        %dma_start3A_139 = tpu.memref_slice %arg7[%sub3A_120, %dma_start3A_137, %dma_start3A_138] : memref<2x16x125xi32, #tpu.memory_space<vmem>> -> memref<1x16x125xi32, #tpu.memory_space<vmem>>
        %dma_start3A_140 = tpu.memref_squeeze %dma_start3A_139 : memref<1x16x125xi32, #tpu.memory_space<vmem>> -> memref<16x125xi32, #tpu.memory_space<vmem>>
        %dma_start3A_141 = arith.constant 0 : i32
        %dma_start3A_142 = arith.constant 0 : i32
        %dma_start3A_143 = tpu.memref_slice %arg3[%add3A, %add3A_119, %dma_start3A_141, %dma_start3A_142] : memref<32x5x16x125xi32, #tpu.memory_space<hbm>> -> memref<1x1x16x125xi32, #tpu.memory_space<hbm>>
        %dma_start3A_144 = tpu.memref_squeeze %dma_start3A_143 : memref<1x1x16x125xi32, #tpu.memory_space<hbm>> -> memref<16x125xi32, #tpu.memory_space<hbm>>
        %dma_start3A_145 = arith.constant 0 : i32
        %dma_start3A_146 = arith.constant 0 : i32
        %dma_start3A_147 = tpu.memref_slice %arg7[%sub3A_120, %dma_start3A_145, %dma_start3A_146] : memref<2x16x125xi32, #tpu.memory_space<vmem>> -> memref<1x16x125xi32, #tpu.memory_space<vmem>>
        %dma_start3A_148 = tpu.memref_squeeze %dma_start3A_147 : memref<1x16x125xi32, #tpu.memory_space<vmem>> -> memref<16x125xi32, #tpu.memory_space<vmem>>
        %dma_start3A_149 = arith.constant 0 : i32
        %dma_start3A_150 = arith.constant 0 : i32
        %dma_start3A_151 = tpu.memref_slice %arg3[%add3A, %add3A_119, %dma_start3A_149, %dma_start3A_150] : memref<32x5x16x125xi32, #tpu.memory_space<hbm>> -> memref<1x1x16x125xi32, #tpu.memory_space<hbm>>
        %dma_start3A_152 = tpu.memref_squeeze %dma_start3A_151 : memref<1x1x16x125xi32, #tpu.memory_space<hbm>> -> memref<16x125xi32, #tpu.memory_space<hbm>>
        tpu.enqueue_dma source(%dma_start3A_152 : memref<16x125xi32, #tpu.memory_space<hbm>>) target(%dma_start3A_148 : memref<16x125xi32, #tpu.memory_space<vmem>>) target_semaphore(%arg12 : memref<!tpu.dma_semaphore, #tpu.memory_space<semaphore_mem>>)
      } else {
      }
      %dma_start3A_106 = arith.constant 0 : i32
      %dma_start3A_107 = arith.constant 0 : i32
      %dma_start3A_108 = tpu.memref_slice %arg6[%select_n3A_67, %dma_start3A_106, %dma_start3A_107] : memref<2x16x125xi32, #tpu.memory_space<vmem>> -> memref<1x1x125xi32, #tpu.memory_space<vmem>>
      %dma_start3A_109 = tpu.memref_squeeze %dma_start3A_108 : memref<1x1x125xi32, #tpu.memory_space<vmem>> -> memref<125xi32, #tpu.memory_space<vmem>>
      %dma_start3A_110 = arith.constant 0 : i32
      %dma_start3A_111 = arith.constant 0 : i32
      %dma_start3A_112 = tpu.memref_slice %arg4[%dma_start3A_110, %dma_start3A_111] : memref<10000x128xf32, #tpu.memory_space<hbm>> -> memref<10000x128xf32, #tpu.memory_space<hbm>>
      tpu.enqueue_indirect_dma source(%dma_start3A_112 : memref<10000x128xf32, #tpu.memory_space<hbm>>) target(%arg8 : memref<125x128xf32, #tpu.memory_space<vmem>>) offsets(%dma_start3A_109 : memref<125xi32, #tpu.memory_space<vmem>>) semaphore(%arg13 : memref<!tpu.dma_semaphore, #tpu.memory_space<semaphore_mem>>)
      %scan3A_113 = arith.constant 0 : i32
      %scan3A_114 = arith.constant 8 : i32
      %scan3A_115 = arith.addi %scan3A_113, %scan3A_114 : i32
      %scan3A_116 = arith.constant 1 : i32
      scf.for %scan3A_118 = %scan3A_113 to %scan3A_115 step %scan3A_116  : i32 {
        %mul3A_119 = arith.constant 2 : i32
        %mul3A_120 = arith.muli %mul3A_119, %scan3A_118 : i32
        %add3A_121 = arith.constant 1 : i32
        %add3A_122 = arith.addi %mul3A_120, %add3A_121 : i32
        %dma_start3A_123 = arith.constant 0 : i32
        %dma_start3A_124 = tpu.memref_slice %arg6[%select_n3A_67, %add3A_122, %dma_start3A_123] : memref<2x16x125xi32, #tpu.memory_space<vmem>> -> memref<1x1x125xi32, #tpu.memory_space<vmem>>
        %dma_start3A_125 = tpu.memref_squeeze %dma_start3A_124 : memref<1x1x125xi32, #tpu.memory_space<vmem>> -> memref<125xi32, #tpu.memory_space<vmem>>
        %dma_start3A_126 = arith.constant 0 : i32
        %dma_start3A_127 = arith.constant 0 : i32
        %dma_start3A_128 = tpu.memref_slice %arg4[%dma_start3A_126, %dma_start3A_127] : memref<10000x128xf32, #tpu.memory_space<hbm>> -> memref<10000x128xf32, #tpu.memory_space<hbm>>
        tpu.enqueue_indirect_dma source(%dma_start3A_128 : memref<10000x128xf32, #tpu.memory_space<hbm>>) target(%arg9 : memref<125x128xf32, #tpu.memory_space<vmem>>) offsets(%dma_start3A_125 : memref<125xi32, #tpu.memory_space<vmem>>) semaphore(%arg14 : memref<!tpu.dma_semaphore, #tpu.memory_space<semaphore_mem>>)
        %dma_wait3A_129 = arith.constant 0 : i32
        %dma_wait3A_130 = arith.constant 0 : i32
        %dma_wait3A_131 = arith.constant 0 : i32
        %dma_wait3A_132 = tpu.memref_slice %arg6[%dma_wait3A_129, %dma_wait3A_130, %dma_wait3A_131] : memref<2x16x125xi32, #tpu.memory_space<vmem>> -> memref<1x1x125xi32, #tpu.memory_space<vmem>>
        %dma_wait3A_133 = tpu.memref_squeeze %dma_wait3A_132 : memref<1x1x125xi32, #tpu.memory_space<vmem>> -> memref<125xi32, #tpu.memory_space<vmem>>
        %dma_wait3A_134 = arith.constant 0 : i32
        %dma_wait3A_135 = arith.constant 0 : i32
        %dma_wait3A_136 = tpu.memref_slice %arg4[%dma_wait3A_134, %dma_wait3A_135] : memref<10000x128xf32, #tpu.memory_space<hbm>> -> memref<10000x128xf32, #tpu.memory_space<hbm>>
        tpu.wait_indirect_dma semaphore(%arg13 : memref<!tpu.dma_semaphore, #tpu.memory_space<semaphore_mem>>) src(%dma_wait3A_136 : memref<10000x128xf32, #tpu.memory_space<hbm>>) dst(%arg8 : memref<125x128xf32, #tpu.memory_space<vmem>>)
        %mul3A_137 = arith.constant 2 : i32
        %mul3A_138 = arith.muli %mul3A_137, %scan3A_118 : i32
        "tpu.region"() ({
          %run_scoped3A = tpu.sem_alloc : memref<!tpu.dma_semaphore, #tpu.memory_space<semaphore_mem>>
          %dma_start3A_156 = arith.constant 0 : i32
          %dma_start3A_157 = tpu.memref_slice %arg7[%select_n3A_67, %mul3A_138, %dma_start3A_156] : memref<2x16x125xi32, #tpu.memory_space<vmem>> -> memref<1x1x125xi32, #tpu.memory_space<vmem>>
          %dma_start3A_158 = tpu.memref_squeeze %dma_start3A_157 : memref<1x1x125xi32, #tpu.memory_space<vmem>> -> memref<125xi32, #tpu.memory_space<vmem>>
          %dma_start3A_159 = arith.constant 0 : i32
          %dma_start3A_160 = arith.constant 0 : i32
          %dma_start3A_161 = tpu.memref_slice %arg11[%dma_start3A_159, %dma_start3A_160] : memref<10240x128xf32, #tpu.memory_space<vmem_shared>> -> memref<10240x128xf32, #tpu.memory_space<vmem_shared>>
          tpu.enqueue_indirect_dma source(%arg8 : memref<125x128xf32, #tpu.memory_space<vmem>>) target(%dma_start3A_161 : memref<10240x128xf32, #tpu.memory_space<vmem_shared>>) offsets(%dma_start3A_158 : memref<125xi32, #tpu.memory_space<vmem>>) semaphore(%run_scoped3A : memref<!tpu.dma_semaphore, #tpu.memory_space<semaphore_mem>>) {add = true}
          %dma_wait3A_162 = arith.constant 0 : i32
          %dma_wait3A_163 = tpu.memref_slice %arg7[%select_n3A_67, %mul3A_138, %dma_wait3A_162] : memref<2x16x125xi32, #tpu.memory_space<vmem>> -> memref<1x1x125xi32, #tpu.memory_space<vmem>>
          %dma_wait3A_164 = tpu.memref_squeeze %dma_wait3A_163 : memref<1x1x125xi32, #tpu.memory_space<vmem>> -> memref<125xi32, #tpu.memory_space<vmem>>
          %dma_wait3A_165 = arith.constant 0 : i32
          %dma_wait3A_166 = arith.constant 0 : i32
          %dma_wait3A_167 = tpu.memref_slice %arg11[%dma_wait3A_165, %dma_wait3A_166] : memref<10240x128xf32, #tpu.memory_space<vmem_shared>> -> memref<10240x128xf32, #tpu.memory_space<vmem_shared>>
          tpu.wait_indirect_dma semaphore(%run_scoped3A : memref<!tpu.dma_semaphore, #tpu.memory_space<semaphore_mem>>) src(%arg8 : memref<125x128xf32, #tpu.memory_space<vmem>>) dst(%dma_wait3A_167 : memref<10240x128xf32, #tpu.memory_space<vmem_shared>>)
          tpu.yield
        }) : () -> ()
        %lt3A_139 = arith.constant 7 : i32
        %lt3A_140 = arith.cmpi slt, %scan3A_118, %lt3A_139 : i32
        %convert_element_type3A_141 = arith.extui %lt3A_140 : i1 to i32
        %cond3A_142 = arith.constant 0 : i32
        %cond3A_143 = arith.cmpi ne, %convert_element_type3A_141, %cond3A_142 : i32
        scf.if %cond3A_143 {
          %mul3A_156 = arith.constant 2 : i32
          %mul3A_157 = arith.muli %mul3A_156, %scan3A_118 : i32
          %add3A_158 = arith.constant 2 : i32
          %add3A_159 = arith.addi %mul3A_157, %add3A_158 : i32
          %dma_start3A_160 = arith.constant 0 : i32
          %dma_start3A_161 = tpu.memref_slice %arg6[%select_n3A_67, %add3A_159, %dma_start3A_160] : memref<2x16x125xi32, #tpu.memory_space<vmem>> -> memref<1x1x125xi32, #tpu.memory_space<vmem>>
          %dma_start3A_162 = tpu.memref_squeeze %dma_start3A_161 : memref<1x1x125xi32, #tpu.memory_space<vmem>> -> memref<125xi32, #tpu.memory_space<vmem>>
          %dma_start3A_163 = arith.constant 0 : i32
          %dma_start3A_164 = arith.constant 0 : i32
          %dma_start3A_165 = tpu.memref_slice %arg4[%dma_start3A_163, %dma_start3A_164] : memref<10000x128xf32, #tpu.memory_space<hbm>> -> memref<10000x128xf32, #tpu.memory_space<hbm>>
          tpu.enqueue_indirect_dma source(%dma_start3A_165 : memref<10000x128xf32, #tpu.memory_space<hbm>>) target(%arg8 : memref<125x128xf32, #tpu.memory_space<vmem>>) offsets(%dma_start3A_162 : memref<125xi32, #tpu.memory_space<vmem>>) semaphore(%arg13 : memref<!tpu.dma_semaphore, #tpu.memory_space<semaphore_mem>>)
        } else {
        }
        %dma_wait3A_144 = arith.constant 0 : i32
        %dma_wait3A_145 = arith.constant 0 : i32
        %dma_wait3A_146 = arith.constant 0 : i32
        %dma_wait3A_147 = tpu.memref_slice %arg6[%dma_wait3A_144, %dma_wait3A_145, %dma_wait3A_146] : memref<2x16x125xi32, #tpu.memory_space<vmem>> -> memref<1x1x125xi32, #tpu.memory_space<vmem>>
        %dma_wait3A_148 = tpu.memref_squeeze %dma_wait3A_147 : memref<1x1x125xi32, #tpu.memory_space<vmem>> -> memref<125xi32, #tpu.memory_space<vmem>>
        %dma_wait3A_149 = arith.constant 0 : i32
        %dma_wait3A_150 = arith.constant 0 : i32
        %dma_wait3A_151 = tpu.memref_slice %arg4[%dma_wait3A_149, %dma_wait3A_150] : memref<10000x128xf32, #tpu.memory_space<hbm>> -> memref<10000x128xf32, #tpu.memory_space<hbm>>
        tpu.wait_indirect_dma semaphore(%arg14 : memref<!tpu.dma_semaphore, #tpu.memory_space<semaphore_mem>>) src(%dma_wait3A_151 : memref<10000x128xf32, #tpu.memory_space<hbm>>) dst(%arg9 : memref<125x128xf32, #tpu.memory_space<vmem>>)
        %mul3A_152 = arith.constant 2 : i32
        %mul3A_153 = arith.muli %mul3A_152, %scan3A_118 : i32
        %add3A_154 = arith.constant 1 : i32
        %add3A_155 = arith.addi %mul3A_153, %add3A_154 : i32
        "tpu.region"() ({
          %run_scoped3A = tpu.sem_alloc : memref<!tpu.dma_semaphore, #tpu.memory_space<semaphore_mem>>
          %dma_start3A_156 = arith.constant 0 : i32
          %dma_start3A_157 = tpu.memref_slice %arg7[%select_n3A_67, %add3A_155, %dma_start3A_156] : memref<2x16x125xi32, #tpu.memory_space<vmem>> -> memref<1x1x125xi32, #tpu.memory_space<vmem>>
          %dma_start3A_158 = tpu.memref_squeeze %dma_start3A_157 : memref<1x1x125xi32, #tpu.memory_space<vmem>> -> memref<125xi32, #tpu.memory_space<vmem>>
          %dma_start3A_159 = arith.constant 0 : i32
          %dma_start3A_160 = arith.constant 0 : i32
          %dma_start3A_161 = tpu.memref_slice %arg11[%dma_start3A_159, %dma_start3A_160] : memref<10240x128xf32, #tpu.memory_space<vmem_shared>> -> memref<10240x128xf32, #tpu.memory_space<vmem_shared>>
          tpu.enqueue_indirect_dma source(%arg9 : memref<125x128xf32, #tpu.memory_space<vmem>>) target(%dma_start3A_161 : memref<10240x128xf32, #tpu.memory_space<vmem_shared>>) offsets(%dma_start3A_158 : memref<125xi32, #tpu.memory_space<vmem>>) semaphore(%run_scoped3A : memref<!tpu.dma_semaphore, #tpu.memory_space<semaphore_mem>>) {add = true}
          %dma_wait3A_162 = arith.constant 0 : i32
          %dma_wait3A_163 = tpu.memref_slice %arg7[%select_n3A_67, %add3A_155, %dma_wait3A_162] : memref<2x16x125xi32, #tpu.memory_space<vmem>> -> memref<1x1x125xi32, #tpu.memory_space<vmem>>
          %dma_wait3A_164 = tpu.memref_squeeze %dma_wait3A_163 : memref<1x1x125xi32, #tpu.memory_space<vmem>> -> memref<125xi32, #tpu.memory_space<vmem>>
          %dma_wait3A_165 = arith.constant 0 : i32
          %dma_wait3A_166 = arith.constant 0 : i32
          %dma_wait3A_167 = tpu.memref_slice %arg11[%dma_wait3A_165, %dma_wait3A_166] : memref<10240x128xf32, #tpu.memory_space<vmem_shared>> -> memref<10240x128xf32, #tpu.memory_space<vmem_shared>>
          tpu.wait_indirect_dma semaphore(%run_scoped3A : memref<!tpu.dma_semaphore, #tpu.memory_space<semaphore_mem>>) src(%arg9 : memref<125x128xf32, #tpu.memory_space<vmem>>) dst(%dma_wait3A_167 : memref<10240x128xf32, #tpu.memory_space<vmem_shared>>)
          tpu.yield
        }) : () -> ()
      }
      %scan3A_117 = arith.constant 8 : i32
    }
    %scan3A_52 = arith.constant 5 : i32
    %barrier3A_53 = arith.constant 0 : index
    tpu.barrier barrier_id(%barrier3A_53)
    %mul3A_54 = arith.constant 640 : i32
    %mul3A_55 = arith.muli %arg1, %mul3A_54 : i32
    %mul3A_56 = arith.constant 640 : i32
    %mul3A_57 = arith.muli %arg1, %mul3A_56 : i32
    "tpu.region"() ({
      %run_scoped3A = tpu.sem_alloc : memref<!tpu.dma_semaphore, #tpu.memory_space<semaphore_mem>>
      %dma_start3A_58 = arith.constant 0 : i32
      %dma_start3A_59 = tpu.memref_slice %arg5[%arg0, %mul3A_57, %dma_start3A_58] : memref<2x10240x128xf32, #tpu.memory_space<hbm>> -> memref<1x640x128xf32, #tpu.memory_space<hbm>>
      %dma_start3A_60 = tpu.memref_squeeze %dma_start3A_59 : memref<1x640x128xf32, #tpu.memory_space<hbm>> -> memref<640x128xf32, #tpu.memory_space<hbm>>
      %dma_start3A_61 = arith.constant 0 : i32
      %dma_start3A_62 = tpu.memref_slice %arg11[%mul3A_55, %dma_start3A_61] : memref<10240x128xf32, #tpu.memory_space<vmem_shared>> -> memref<640x128xf32, #tpu.memory_space<vmem_shared>>
      tpu.enqueue_dma source(%dma_start3A_62 : memref<640x128xf32, #tpu.memory_space<vmem_shared>>) target(%dma_start3A_60 : memref<640x128xf32, #tpu.memory_space<hbm>>) target_semaphore(%run_scoped3A : memref<!tpu.dma_semaphore, #tpu.memory_space<semaphore_mem>>)
      %dma_wait3A = arith.constant 0 : i32
      %dma_wait3A_63 = tpu.memref_slice %arg5[%arg0, %mul3A_57, %dma_wait3A] : memref<2x10240x128xf32, #tpu.memory_space<hbm>> -> memref<1x640x128xf32, #tpu.memory_space<hbm>>
      %dma_wait3A_64 = tpu.memref_squeeze %dma_wait3A_63 : memref<1x640x128xf32, #tpu.memory_space<hbm>> -> memref<640x128xf32, #tpu.memory_space<hbm>>
      %dma_wait3A_65 = arith.constant 0 : i32
      %dma_wait3A_66 = tpu.memref_slice %arg11[%mul3A_55, %dma_wait3A_65] : memref<10240x128xf32, #tpu.memory_space<vmem_shared>> -> memref<640x128xf32, #tpu.memory_space<vmem_shared>>
      tpu.wait_dma2 semaphore(%run_scoped3A : memref<!tpu.dma_semaphore, #tpu.memory_space<semaphore_mem>>) src(%dma_wait3A_66 : memref<640x128xf32, #tpu.memory_space<vmem_shared>>) dst(%dma_wait3A_64 : memref<640x128xf32, #tpu.memory_space<hbm>>)
      tpu.yield
    }) : () -> ()
    return
  }
}

module attributes {stable_mosaic.version = 14 : i64} {
  func.func @body(%arg0: memref<10000x128xf32, #tpu.memory_space<vmem>>, %arg1: memref<128x128xf32, #tpu.memory_space<vmem>>, %arg2: memref<10000x128xf32, #tpu.memory_space<vmem>>) attributes {dimension_semantics = [], scalar_prefetch = 0 : i64, scratch_operands = 0 : i64, tpu.core_type = #tpu.core_type<tc>} {
    %get3A = arith.constant 0 : index
    %get3A_0 = arith.constant 0 : index
    %get3A_1 = vector.load %arg0[%get3A, %get3A_0] : memref<10000x128xf32, #tpu.memory_space<vmem>>, vector<10000x128xf32>
    %get3A_2 = arith.constant 0 : index
    %get3A_3 = arith.constant 0 : index
    %get3A_4 = vector.load %arg1[%get3A_2, %get3A_3] : memref<128x128xf32, #tpu.memory_space<vmem>>, vector<128x128xf32>
    %dot_general3A = arith.constant dense<0.000000e+00> : vector<10000x128xf32>
    %dot_general3A_5 = tpu.matmul %get3A_1, %get3A_4, %dot_general3A {dimension_numbers = #tpu.dot_dimension_numbers<[1], [0], [0], [1], [0, 0, 1, 1], [], []>, transpose_lhs_hint = false} : vector<10000x128xf32>, vector<128x128xf32>, vector<10000x128xf32> -> vector<10000x128xf32>
    %swap3A = arith.constant 0 : index
    %swap3A_6 = arith.constant 0 : index
    %swap3A_7 = vector.load %arg2[%swap3A, %swap3A_6] : memref<10000x128xf32, #tpu.memory_space<vmem>>, vector<10000x128xf32>
    tpu.vector_store %arg2[%swap3A, %swap3A_6], %dot_general3A_5 {strides = array<i32>} : memref<10000x128xf32, #tpu.memory_space<vmem>>, vector<10000x128xf32>,
    return
  }
}

module attributes {stable_mosaic.version = 14 : i64} {
  func.func @body(%arg0: memref<10000x128xf32, #tpu.memory_space<vmem>>, %arg1: memref<2x10000x1xf32, #tpu.memory_space<vmem>>, %arg2: memref<10000x128xf32, #tpu.memory_space<vmem>>) attributes {dimension_semantics = [], scalar_prefetch = 0 : i64, scratch_operands = 0 : i64, tpu.core_type = #tpu.core_type<tc>} {
    %get3A = arith.constant 0 : index
    %get3A_0 = arith.constant 0 : index
    %get3A_1 = arith.constant 0 : index
    %get3A_2 = vector.load %arg1[%get3A, %get3A_0, %get3A_1] : memref<2x10000x1xf32, #tpu.memory_space<vmem>>, vector<1x10000x1xf32>
    %get3A_3 = vector.shape_cast %get3A_2 : vector<1x10000x1xf32> to vector<10000x1xf32>
    %get3A_4 = arith.constant 1 : index
    %get3A_5 = arith.constant 0 : index
    %get3A_6 = arith.constant 0 : index
    %get3A_7 = vector.load %arg1[%get3A_4, %get3A_5, %get3A_6] : memref<2x10000x1xf32, #tpu.memory_space<vmem>>, vector<1x10000x1xf32>
    %get3A_8 = vector.shape_cast %get3A_7 : vector<1x10000x1xf32> to vector<10000x1xf32>
    %add3A = arith.addf %get3A_3, %get3A_8 : vector<10000x1xf32>
    %add3A_9 = arith.constant 1.000000e+00 : f32
    %add3A_10 = vector.broadcast %add3A_9 : f32 to vector<10000x1xf32>
    %add3A_11 = arith.addf %add3A, %add3A_10 : vector<10000x1xf32>
    %rsqrt3A = math.rsqrt %add3A_11 : vector<10000x1xf32>
    %get3A_12 = arith.constant 0 : index
    %get3A_13 = arith.constant 0 : index
    %get3A_14 = vector.load %arg0[%get3A_12, %get3A_13] : memref<10000x128xf32, #tpu.memory_space<vmem>>, vector<10000x128xf32>
    %mul3A = vector.broadcast %rsqrt3A : vector<10000x1xf32> to vector<10000x128xf32>
    %mul3A_15 = arith.mulf %get3A_14, %mul3A : vector<10000x128xf32>
    %swap3A = arith.constant 0 : index
    %swap3A_16 = arith.constant 0 : index
    %swap3A_17 = vector.load %arg2[%swap3A, %swap3A_16] : memref<10000x128xf32, #tpu.memory_space<vmem>>, vector<10000x128xf32>
    tpu.vector_store %arg2[%swap3A, %swap3A_16], %mul3A_15 {strides = array<i32>} : memref<10000x128xf32, #tpu.memory_space<vmem>>, vector<10000x128xf32>,
    return
  }
}

module attributes {stable_mosaic.version = 14 : i64} {
  func.func @body(%arg0: memref<2x10240x128xf32, #tpu.memory_space<vmem>>, %arg1: memref<10000x128xf32, #tpu.memory_space<vmem>>, %arg2: memref<2x10000x1xf32, #tpu.memory_space<vmem>>, %arg3: memref<1x128xf32, #tpu.memory_space<vmem>>, %arg4: memref<10000x128xf32, #tpu.memory_space<vmem>>) attributes {dimension_semantics = [], scalar_prefetch = 0 : i64, scratch_operands = 0 : i64, tpu.core_type = #tpu.core_type<tc>} {
    %get3A = arith.constant 0 : index
    %get3A_0 = arith.constant 0 : index
    %get3A_1 = arith.constant 0 : index
    %get3A_2 = vector.load %arg2[%get3A, %get3A_0, %get3A_1] : memref<2x10000x1xf32, #tpu.memory_space<vmem>>, vector<1x10000x1xf32>
    %get3A_3 = vector.shape_cast %get3A_2 : vector<1x10000x1xf32> to vector<10000x1xf32>
    %get3A_4 = arith.constant 1 : index
    %get3A_5 = arith.constant 0 : index
    %get3A_6 = arith.constant 0 : index
    %get3A_7 = vector.load %arg2[%get3A_4, %get3A_5, %get3A_6] : memref<2x10000x1xf32, #tpu.memory_space<vmem>>, vector<1x10000x1xf32>
    %get3A_8 = vector.shape_cast %get3A_7 : vector<1x10000x1xf32> to vector<10000x1xf32>
    %add3A = arith.addf %get3A_3, %get3A_8 : vector<10000x1xf32>
    %add3A_9 = arith.constant 1.000000e+00 : f32
    %add3A_10 = vector.broadcast %add3A_9 : f32 to vector<10000x1xf32>
    %add3A_11 = arith.addf %add3A, %add3A_10 : vector<10000x1xf32>
    %rsqrt3A = math.rsqrt %add3A_11 : vector<10000x1xf32>
    %get3A_12 = arith.constant 0 : index
    %get3A_13 = arith.constant 0 : index
    %get3A_14 = arith.constant 0 : index
    %get3A_15 = vector.load %arg0[%get3A_12, %get3A_13, %get3A_14] : memref<2x10240x128xf32, #tpu.memory_space<vmem>>, vector<1x10000x128xf32>
    %get3A_16 = vector.shape_cast %get3A_15 : vector<1x10000x128xf32> to vector<10000x128xf32>
    %get3A_17 = arith.constant 1 : index
    %get3A_18 = arith.constant 0 : index
    %get3A_19 = arith.constant 0 : index
    %get3A_20 = vector.load %arg0[%get3A_17, %get3A_18, %get3A_19] : memref<2x10240x128xf32, #tpu.memory_space<vmem>>, vector<1x10000x128xf32>
    %get3A_21 = vector.shape_cast %get3A_20 : vector<1x10000x128xf32> to vector<10000x128xf32>
    %add3A_22 = arith.addf %get3A_16, %get3A_21 : vector<10000x128xf32>
    %get3A_23 = arith.constant 0 : index
    %get3A_24 = arith.constant 0 : index
    %get3A_25 = vector.load %arg1[%get3A_23, %get3A_24] : memref<10000x128xf32, #tpu.memory_space<vmem>>, vector<10000x128xf32>
    %add3A_26 = arith.addf %add3A_22, %get3A_25 : vector<10000x128xf32>
    %mul3A = vector.broadcast %rsqrt3A : vector<10000x1xf32> to vector<10000x128xf32>
    %mul3A_27 = arith.mulf %add3A_26, %mul3A : vector<10000x128xf32>
    %get3A_28 = arith.constant 0 : index
    %get3A_29 = arith.constant 0 : index
    %get3A_30 = vector.load %arg3[%get3A_28, %get3A_29] : memref<1x128xf32, #tpu.memory_space<vmem>>, vector<1x128xf32>
    %add3A_31 = vector.broadcast %get3A_30 : vector<1x128xf32> to vector<10000x128xf32>
    %add3A_32 = arith.addf %mul3A_27, %add3A_31 : vector<10000x128xf32>
    %max3A = arith.constant 0.000000e+00 : f32
    %max3A_33 = vector.broadcast %max3A : f32 to vector<10000x128xf32>
    %max3A_34 = arith.maximumf %add3A_32, %max3A_33 : vector<10000x128xf32>
    %swap3A = arith.constant 0 : index
    %swap3A_35 = arith.constant 0 : index
    %swap3A_36 = vector.load %arg4[%swap3A, %swap3A_35] : memref<10000x128xf32, #tpu.memory_space<vmem>>, vector<10000x128xf32>
    tpu.vector_store %arg4[%swap3A, %swap3A_35], %max3A_34 {strides = array<i32>} : memref<10000x128xf32, #tpu.memory_space<vmem>>, vector<10000x128xf32>,
    return
  }
}

</mosaic_0001>

<sc_bundles>
// kernel: kernel.10.cloned.1.call-start
scs
__scs_entry_jumppad:
0x0: {  	(pc) =	sbr.rel $0x88, $3  }
0x1: {  	(tag) =	ssettag $0x0;
	lr =	simm.s32 $0x1  }
0x2: {  	[smem:$0x3F9D] =	sst lr;
	_ =	strace $0xD0000000  }
0x3: {  	_ = 	snop  }
0x4: {  	_ = 	snop  }
0x5: {  	_ = 	snop  }
0x6: {  	_ = 	snop  }
0x7: {  	_ = 	snop  }
__scs_overlays_trampoline_lowered:
0x8: {  	[smem:$0x3FAC] =	sst s0  }
0x9: {  	[smem:$0x3FAD] =	sst s1  }
0xa: {  	[smem:$0x3FAE] =	sst s2  }
0xb: {  	[smem:$0x3FAF] =	sst s3  }
0xc: {  	[smem:$0x3FB0] =	sst s4  }
0xd: {  	[smem:$0x3FB1] =	sst s5  }
0xe: {  	[smem:$0x3FB2] =	sst s6  }
0xf: {  	[smem:$0x3FB3] =	sst s7  }
0x10: {  	[smem:$0x3FB4] =	sst s8  }
0x11: {  	[smem:$0x3FB5] =	sst s9;
	s0 =	simm.s32 @!p0 $0x0  }
0x12: {  	s1 =	sld [smem:$0x3F9B];
	s0 =	simm.s32 @p0 $0x1  }
0x13: {  	[smem:$0x3FB6] =	sst s0;
	s0 =	simm.s32 @!p1 $0x0  }
0x14: {  	s2 =	sld [smem:$0x3F9A];
	s0 =	simm.s32 @p1 $0x1  }
0x15: {  	[smem:$0x3FB7] =	sst s0;
	s0 =	simm.s32 @!p2 $0x0  }
0x16: {  	s3 =	sld [smem:$0x3FDB];
	s0 =	simm.s32 @p2 $0x1  }
0x17: {  	s4 =	simm.s32 $0x1BF5;
	[smem:$0x3FB9] =	sst s0  }
0x18: {  	s0 =	sld [smem:$0x3F9C];
	_ =	swait.ge [sflag:s4], $0x0  }
0x19: {  	s7 =	sld [smem:$0x3F9D]  }
0x1a: {  	s8 =	sadd.s32 $0xFFFFE003, lr  }
0x1b: {  	s9 =	sadd.s32 $0xFFFFFEF7, lr;
	s5 =	simm.s32 $0xFFFFFFFF;
	p2 =	slt.u32 s8, $0xFFFFF086  }
0x1c: {  	p1 =	slt.u32 s9, $0xF7A;
	s5 =	simm.s32 @!p2 $0x0  }
0x1d: {  	s5 =	simm.s32 @p1 $0x1;
	p0 =	seq.s32 s7, s2  }
0x1e: {  	s7 =	smul.u32 @!p0 $0xF7A, s2;
	p2 =	seq.s32 @!p0 s5, $0x0  }
0x1f: {  	s9 =	smul.u32 $0xF7A, s1;
	s8 =	simm.s32 @!p0 $0x1BF5;
	p2 =	por !p2, p0  }
0x20: {  	[sflag:s8] =	ssyncset.s32 @!p0 $0xFFFFF086;
	s6 =	sadd.s32 @!p0 s3, s7;
	s7 =	simm.s32 @!p0 $0x108  }
0x21: {  	s3 =	sadd.s32 s3, s9;
	s6 =	sadd.s32 @!p0 $0x88, s6;
	s7 =	simm.s32 @p2 $0x1082  }
0x22: {  	[simem:s7], [sflag:s8] =	dma.local @!p0 [hbm:s6], $0xF7A  }
0x23: {  	s9 =	sor.u32 $0xD0000000, s2;
	s6 =	simm.s32 $0x108;
	_ =	swait.ge @!p0 [sflag:s8], $0x0  }
0x24: {  	s3 =	sadd.s32 $0x88, s3;
	s6 =	simm.s32 @!p1 $0x1082;
	[sflag:s4] =	ssyncset.s32 $0xFFFFF086  }
0x25: {  	[simem:s6], [sflag:s4] =	dma.local [hbm:s3], $0xF7A  }
0x26: {  	[smem:$0x3F9D] =	sst s1;
	(tag) =	ssettag s2;
	_ =	strace s9  }
0x27: {  	s1 =	sld [smem:$0x3FAD]  }
0x28: {  	s2 =	sld [smem:$0x3FAE]  }
0x29: {  	s4 =	sld [smem:$0x3FB0]  }
0x2a: {  	p0 =	seq.s32 s5, $0x0;
	s5 =	sld [smem:$0x3FB1]  }
0x2b: {  	s6 =	sld [smem:$0x3FB2]  }
0x2c: {  	s7 =	sld [smem:$0x3FB3]  }
0x2d: {  	s3 =	simm.s32 $0x108;
	s8 =	sld [smem:$0x3FB4]  }
0x2e: {  	s3 =	simm.s32 @!p0 $0x1082;
	s9 =	sld [smem:$0x3FB5]  }
0x2f: {  	lr =	sadd.s32 s0, s3;
	s0 =	sld [smem:$0x3FAC]  }
0x30: {  	s3 =	sld [smem:$0x3FAF]  }
0x31: {  	[smem:$0x3FB8] =	sst s10  }
0x32: {  	s10 =	sld [smem:$0x3FB6];
	_ =	sdelay $0x3  }
0x33: {  	p0 =	seq.s32 s10, $0x1;
	s10 =	sld [smem:$0x3FB8];
	_ =	sdelay $0x3  }
0x34: {  	[smem:$0x3FB8] =	sst s10  }
0x35: {  	s10 =	sld [smem:$0x3FB7];
	_ =	sdelay $0x3  }
0x36: {  	p1 =	seq.s32 s10, $0x1;
	s10 =	sld [smem:$0x3FB8];
	_ =	sdelay $0x3  }
0x37: {  	[smem:$0x3FB8] =	sst s10  }
0x38: {  	s10 =	sld [smem:$0x3FB9]  }
0x39: {  	_ = 	snop;
	(pc) =	sbr.ind lr, $3  }
0x3a: {  	_ = 	snop  }
0x3b: {  	_ = 	snop  }
0x3c: {  	p2 =	seq.s32 s10, $0x1;
	s10 =	sld [smem:$0x3FB8]  }
0x3d: {  	_ =	shalt  }
0x3e: {  	_ =	shalt  }
0x3f: {  	_ =	shalt  }
0x40: {  	_ =	shalt  }
0x41: {  	_ =	shalt  }
0x42: {  	_ =	shalt  }
0x43: {  	_ =	shalt  }
0x44: {  	_ =	shalt  }
0x45: {  	_ =	shalt  }
0x46: {  	_ =	shalt  }
0x47: {  	_ =	shalt  }
0x48: {  	_ =	shalt  }
0x49: {  	_ =	shalt  }
0x4a: {  	_ =	shalt  }
0x4b: {  	_ =	shalt  }
0x4c: {  	_ =	shalt  }
0x4d: {  	_ =	shalt  }
0x4e: {  	_ =	shalt  }
0x4f: {  	_ =	shalt  }
0x50: {  	_ =	shalt  }
0x51: {  	_ =	shalt  }
0x52: {  	_ =	shalt  }
0x53: {  	_ =	shalt  }
0x54: {  	_ =	shalt  }
0x55: {  	_ =	shalt  }
0x56: {  	_ =	shalt  }
0x57: {  	_ =	shalt  }
0x58: {  	_ =	shalt  }
0x59: {  	_ =	shalt  }
0x5a: {  	_ =	shalt  }
0x5b: {  	_ =	shalt  }
0x5c: {  	_ =	shalt  }
0x5d: {  	_ =	shalt  }
0x5e: {  	_ =	shalt  }
0x5f: {  	_ =	shalt  }
0x60: {  	_ =	shalt  }
0x61: {  	_ =	shalt  }
0x62: {  	_ =	shalt  }
0x63: {  	_ =	shalt  }
0x64: {  	_ =	shalt  }
0x65: {  	_ =	shalt  }
0x66: {  	_ =	shalt  }
0x67: {  	_ =	shalt  }
0x68: {  	_ =	shalt  }
0x69: {  	_ =	shalt  }
0x6a: {  	_ =	shalt  }
0x6b: {  	_ =	shalt  }
0x6c: {  	_ =	shalt  }
0x6d: {  	_ =	shalt  }
0x6e: {  	_ =	shalt  }
0x6f: {  	_ =	shalt  }
0x70: {  	_ =	shalt  }
0x71: {  	_ =	shalt  }
0x72: {  	_ =	shalt  }
0x73: {  	_ =	shalt  }
0x74: {  	_ =	shalt  }
0x75: {  	_ =	shalt  }
0x76: {  	_ =	shalt  }
0x77: {  	_ =	shalt  }
0x78: {  	_ =	shalt  }
0x79: {  	_ =	shalt  }
0x7a: {  	_ =	shalt  }
0x7b: {  	_ =	shalt  }
0x7c: {  	_ =	shalt  }
0x7d: {  	_ =	shalt  }
0x7e: {  	_ =	shalt  }
0x7f: {  	_ =	shalt  }
0x80: {  	_ =	shalt  }
0x81: {  	_ =	shalt  }
0x82: {  	_ =	shalt  }
0x83: {  	_ =	shalt  }
0x84: {  	_ =	shalt  }
0x85: {  	_ =	shalt  }
0x86: {  	_ =	shalt  }
0x87: {  	_ =	shalt  }
.Lfunc_end0:
.L_simem_size_0:
called_computation.1_lowered:
.L_overlay_start_0:
0x88: {  	s2 =	sld [smem:$0x3FD9]  }
0x89: {  	s3 =	sld [smem:$0x3FFE];
	_ =	sdelay $0x1  }
0x8a: {  	s1 =	srdreg.scid  }
0x8b: {  	s0 =	sand.u32 $0x1, s1  }
0x8c: {  	s17 =	sshll.u32 s0, $0xA;
	s2 =	sadd.s32 s3, s2  }
0x8d: {  	s2 =	sadd.s32 s2, s17  }
0x8e: {  	[smem:$0x3FC4] =	sst s2  }
0x8f: {  	_ = 	snop  }
0x90: {  	s2 =	sld [smem:$0x3FD0];
	(tm) =	ssettm $0x1  }
0x91: {  	s18 =	sld [smem:$0x3FFB];
	_ =	sdelay $0x3  }
0x92: {  	_ =	strace s18  }
0x93: {  	s3 =	sld [smem:$0x3FFC];
	_ =	sdelay $0x3  }
0x94: {  	_ =	strace s3  }
0x95: {  	s3 =	sld [smem:$0x3FFD];
	_ =	sdelay $0x3  }
0x96: {  	_ =	strace s3  }
0x97: {  	_ =	strace $0x8FFFFFFF  }
0x98: {  	s19 =	sld [smem:$0x3FDB];
	_ =	sdelay $0x1  }
0x99: {  	s4 =	simm.s32 $_scs_section_size  }
0x9a: {  	s5 =	simm.s32 $_size__tile_overlayer_lowered;
	s6 =	simm.s32 $_tile_overlayer_lowered  }
0x9b: {  	s22 =	simm.s32 $0x1BFF;
	s21 =	sshll.u32 s6, $0x1;
	s3 =	sadd.s32 s4, s19  }
0x9c: {  	s7 =	simm.s32 $0x0;
	s20 =	sshll.u32 s5, $0x1;
	s5 =	sadd.s32 s21, s3  }
0x9d: {  	[timem:s7], [sflag:s22] =	dma.local [hbm:s5], s20  }
0x9e: {  	_ =	swait.ge [sflag:s22], s20  }
0x9f: {  	s4 =	ssub.s32 $0x0, s20;
	[sflag:s22] =	ssyncset.done $0x0  }
0xa0: {  	[sflag:s22] =	ssyncadd.s32 s4;
	_ =	sdelay $0x1  }
0xa1: {  	s23 =	simm.s32 $0x1B8B  }
0xa2: {  	_ =	swait.ge [sflag:s23], $0x1  }
0xa3: {  	[sflag:s23] =	ssyncset.done $0x0  }
0xa4: {  	s25 =	simm.s32 $0x1B8E;
	s24 =	sld [smem:$0x3FFE];
	[sflag:s23] =	ssyncadd.s32 $0xFFFFFFFF  }
0xa5: {  	s26 =	simm.s32 $execute0_lowered;
	[smem:$0x3FD2] =	sst s25  }
0xa6: {  	s5 =	sshll.u32 s26, $0x1;
	_ =	strace $0x80000049;
	[dreg:$0x1] =	wrdreg $0xFFFFFFFF  }
0xa7: {  	s28 =	simm.s32 $_size_execute0_lowered;
	s3 =	sadd.s32 s3, s5;
	[dreg:$0x0] =	wrdreg $0x0  }
0xa8: {  	s5 =	sshll.u32 s28, $0x1;
	[dreg:$0x2] =	wrdreg s3  }
0xa9: {  	[dreg:$0x3] =	wrdreg s5  }
0xaa: {  	[dreg:$0x4] =	wrdreg $0xC0  }
0xab: {  	_ =	task [dreg:s7], $0x5FFFF  }
0xac: {  	[dreg:$0x1] =	wrdreg $0xFFFFFFFF  }
0xad: {  	[dreg:$0x0] =	wrdreg $0x60  }
0xae: {  	[dreg:$0x2] =	wrdreg s24  }
0xaf: {  	[dreg:$0x3] =	wrdreg s2  }
0xb0: {  	[dreg:$0x4] =	wrdreg $0xB0000  }
0xb1: {  	[dreg:$0x5] =	wrdreg $0x9  }
0xb2: {  	_ =	task.clear_ibuf [dreg:s7], $0x6FFFF;
	_ =	strace $0x90000049  }
0xb3: {  	s29 =	simm.s32 $0x9;
	_ =	strace $0x8000004B  }
0xb4: {  	_ =	swait.ge [sflag:s29], $0x1  }
0xb5: {  	[sflag:s29] =	ssyncadd.s32 $0xFFFFFFFF  }
0xb6: {  	_ =	strace $0x9000004B  }
0xb7: {  	_ =	sfence  }
0xb8: {  	s30 =	sld [smem:$0x0];
	_ =	sdelay $0x2  }
0xb9: {  	s31 =	sshll.u32 s1, $0xD;
	s1 =	sshrl.u32 s1, $0x2  }
0xba: {  	s3 =	sand.u32 $0x4000, s31;
	s1 =	sadd.s32 s1, s30  }
0xbb: {  	s0 =	sor.u32 s3, s0;
	s1 =	sshll.u32 s1, $0x11  }
0xbc: {  	s0 =	sor.u32 s1, s0  }
0xbd: {  	s0 =	sadd.s32 $0x8F2B, s0  }
0xbe: {  	[sflag:s0] =	ssyncadd.remote.s32 $0x1  }
0xbf: {  	_ =	sfence.sel $0xFFFF  }
0xc0: {  	[dreg:$0x0] =	wrdreg $0xFFFFFFFF;
	(pc) =	sbr.abs _section_cstart, $3  }
0xc1: {  	[dreg:$0x1] =	wrdreg $0xFFFFFFFF  }
0xc2: {  	_ =	task.clear_ibuf [dreg:s7], $0x2FFFF;
	_ =	strace $0x9FFFFFFF  }
0xc3: {  	(tm) =	ssettm $0x7FFFFFFF  }
tec
execute0_lowered:
.L_overlay_start_1:
0x0: {  	(tag) =	ssettag $0x1  }
0x1: {  	s0 =	rddreg [dreg:$0x0]  }
0x2: {  	s1 =	rddreg [dreg:$0x1]  }
0x3: {  	s2 =	rddreg [dreg:$0x2]  }
0x4: {  	s4 =	simm.s32 $0x0;
	s3 =	srdreg.scid;
	s12 =	stileid.u32  }
0x5: {  	[smem:$0x7FF] =	sst s4;
	s8 =	smul.u32 $0x14000, s12  }
0x6: {  	s3 =	sand.u32 $0x1, s3;
	s9 =	sshll.u32 s12, $0x1;
	s11 =	smul.u32 $0x50000, s12  }
0x7: {  	s5 =	sadd.s32 $0xB000, s0;
	s6 =	sadd.s32 $0x1000, s0;
	s19 =	smul.u32 $0x5000, s12  }
0x8: {  	s12 =	simm.s32 $0x2;
	s7 =	smul.u32 $0x140000, s3;
	_ =	strace $0x8000004A  }
0x9: {  	s9 =	sor.u32 s3, s9;
	s26 =	ssub.s32 $0x2, s3;
	s3 =	smul.u32 $0x2800, s3  }
0xa: {  	s9 =	smul.u32 $0x2800, s9;
	s10 =	sshrl.u32 s26, $0x1;
	s15 =	sshrl.u32 s11, $0x2  }
0xb: {  	s11 =	simm.s32 $0x6000;
	s7 =	sadd.s32 s8, s7;
	s13 =	ssub.s32 s26, s10  }
0xc: {  	s10 =	simm.s32 $0x2000;
	s14 =	sshrl.u32 s9, $0x3;
	s16 =	smax.u32 s13, $0x1  }
0xd: {  	s7 =	sshrl.u32 s7, $0x3;
	s9 =	sadd.s32 s5, s14;
	[dreg:$0x8] =	wrdreg s16  }
0xe: {  	s0 =	sadd.s32 s7, s0;
	s8 =	sadd.s32 s6, s14;
	[dreg:$0x5] =	wrdreg s9  }
0xf: {  	[dreg:$0x6] =	wrdreg s8;
	s9 =	sadd.s32 s15, s2;
	s0 =	sadd.s32 $0x15000, s0  }
0x10: {  	s13 =	simm.s32 $0x3;
	[dreg:$0x7] =	wrdreg s0;
	s17 =	sadd.s32 $0x1000, s9  }
0x11: {  	s7 =	simm.s32 $0x1;
	s18 =	sadd.s32 $0x2000, s9;
	[dreg:$0x9] =	wrdreg s17  }
0x12: {  	s8 =	simm.s32 $0x7D;
	s21 =	sadd.s32 $0x3000, s9;
	[dreg:$0xa] =	wrdreg s18  }
0x13: {  	s22 =	sadd.s32 $0x4000, s9;
	s23 =	sadd.s32 $0x5000, s9;
	[dreg:$0xb] =	wrdreg s21  }
0x14: {  	s24 =	sadd.s32 $0x6000, s9;
	s25 =	sadd.s32 $0x7000, s9;
	[dreg:$0xc] =	wrdreg s22  }
0x15: {  	s26 =	sadd.s32 $0x8000, s9;
	s20 =	sadd.s32 $0x9000, s9;
	[dreg:$0xd] =	wrdreg s23  }
0x16: {  	s0 =	sadd.s32 s3, s19;
	s28 =	sadd.s32 $0x10000, s9;
	[dreg:$0xe] =	wrdreg s24  }
0x17: {  	s29 =	sadd.s32 $0x11000, s9;
	s30 =	sadd.s32 $0x12000, s9;
	[dreg:$0xf] =	wrdreg s25  }
0x18: {  	s31 =	sadd.s32 $0x13000, s9;
	s3 =	simm.s32 $0x4;
	[dreg:$0x10] =	wrdreg s26  }
0x19: {  	s21 =	sadd.s32 $0xA000, s9;
	s22 =	sadd.s32 $0xB000, s9;
	s0 =	sadd.s32 $0x800, s0  }
0x1a: {  	s23 =	sadd.s32 $0xC000, s9;
	s24 =	sadd.s32 $0xD000, s9;
	s25 =	sadd.s32 $0xE000, s9  }
0x1b: {  	v0 =	vimm.f32 $0.0e+00;
	s26 =	sadd.s32 $0xF000, s9;
	[dreg:$0x4] =	wrdreg s0;
	s0 =	simm.s32 $0xA000  }
.LBB2_1:
0x1c: {  	s14 =	simm.s32 $0x0;
	s15 =	simm.s32 $0x200  }
.LBB2_2:
0x1d: {  	p0 =	sne.s32 s15, $0x3E00;
	[tilespmem:s14+$0xA070] =	vst v0  }
0x1e: {  	[tilespmem:s14+$0xA000] =	vst v0  }
0x1f: {  	[tilespmem:s14+$0xA010] =	vst v0  }
.Ltmp0:
0x20: {  	[tilespmem:s14+$0xA020] =	vst v0;
	(pc) =	sbr.rel @p0 .LBB2_2-.Ltmp0, $4  }
0x21: {  	[tilespmem:s14+$0xA030] =	vst v0  }
0x22: {  	[tilespmem:s14+$0xA040] =	vst v0  }
0x23: {  	[tilespmem:s14+$0xA050] =	vst v0  }
0x24: {  	[tilespmem:s14+$0xA060] =	vst v0;
	s14 =	sshra.s32 s15, $0x2;
	s15 =	sadd.s32 $0x200, s15  }
0x25: {  	[tilespmem:s14+$0xA070] =	vst v0  }
0x26: {  	[tilespmem:s14+$0xA000] =	vst v0  }
0x27: {  	[tilespmem:s14+$0xA010] =	vst v0  }
0x28: {  	[tilespmem:s14+$0xA020] =	vst v0  }
0x29: {  	[tilespmem:s14+$0xA030] =	vst v0  }
0x2a: {  	[tilespmem:s14+$0xA040] =	vst v0  }
0x2b: {  	[tilespmem:s14+$0xA050] =	vst v0  }
0x2c: {  	[tilespmem:s14+$0xA060] =	vst v0;
	s14 =	simm.s32 $0x0;
	s15 =	rddreg [dreg:$0x5]  }
0x2d: {  	[tilespmem:s14], [sflag:$0x1] =	stream.linear.gather [hbm4b:s15+s14], $0x800, $0x38;
	[tilespmem:$0x1F000] =	vst v63  }
0x2e: {  	s17 =	rddreg [dreg:$0x6];
	s16 =	simm.s32 $0x1000  }
0x2f: {  	[tilespmem:s16], [sflag:$0x1] =	stream.linear.gather [hbm4b:s17+s14], $0x800, $0x38;
	[tilespmem:$0x1F000] =	vst v63  }
0x30: {  	_ = 	snop  }
0x31: {  	[spmem:s9] =	stream.linear.scatter [tilespmem:s0], [sflag:$0x4], $0x1000, $0x38;
	[tilespmem:$0x1F000] =	vst v63  }
0x32: {  	_ =	swait.ge [sflag:s3], $0x1000  }
0x33: {  	[sflag:s3] =	ssyncset.done $0x0  }
0x34: {  	s18 =	rddreg [dreg:$0x9];
	[sflag:s3] =	ssyncadd.s32 $0xFFFFF000  }
0x35: {  	[spmem:s18] =	stream.linear.scatter [tilespmem:s0], [sflag:$0x4], $0x1000, $0x38;
	[tilespmem:$0x1F000] =	vst v63  }
0x36: {  	_ =	swait.ge [sflag:s3], $0x1000  }
0x37: {  	[sflag:s3] =	ssyncset.done $0x0  }
0x38: {  	s19 =	rddreg [dreg:$0xa];
	[sflag:s3] =	ssyncadd.s32 $0xFFFFF000  }
0x39: {  	[spmem:s19] =	stream.linear.scatter [tilespmem:s0], [sflag:$0x4], $0x1000, $0x38;
	[tilespmem:$0x1F000] =	vst v63  }
0x3a: {  	_ =	swait.ge [sflag:s3], $0x1000  }
0x3b: {  	[sflag:s3] =	ssyncset.done $0x0  }
0x3c: {  	s16 =	rddreg [dreg:$0xb];
	[sflag:s3] =	ssyncadd.s32 $0xFFFFF000  }
0x3d: {  	[spmem:s16] =	stream.linear.scatter [tilespmem:s0], [sflag:$0x4], $0x1000, $0x38;
	[tilespmem:$0x1F000] =	vst v63  }
0x3e: {  	_ =	swait.ge [sflag:s3], $0x1000  }
0x3f: {  	[sflag:s3] =	ssyncset.done $0x0  }
0x40: {  	s17 =	rddreg [dreg:$0xc];
	[sflag:s3] =	ssyncadd.s32 $0xFFFFF000  }
0x41: {  	[spmem:s17] =	stream.linear.scatter [tilespmem:s0], [sflag:$0x4], $0x1000, $0x38;
	[tilespmem:$0x1F000] =	vst v63  }
0x42: {  	_ =	swait.ge [sflag:s3], $0x1000  }
0x43: {  	[sflag:s3] =	ssyncset.done $0x0  }
0x44: {  	s18 =	rddreg [dreg:$0xd];
	[sflag:s3] =	ssyncadd.s32 $0xFFFFF000  }
0x45: {  	[spmem:s18] =	stream.linear.scatter [tilespmem:s0], [sflag:$0x4], $0x1000, $0x38;
	[tilespmem:$0x1F000] =	vst v63  }
0x46: {  	_ =	swait.ge [sflag:s3], $0x1000  }
0x47: {  	[sflag:s3] =	ssyncset.done $0x0  }
0x48: {  	s19 =	rddreg [dreg:$0xe];
	[sflag:s3] =	ssyncadd.s32 $0xFFFFF000  }
0x49: {  	[spmem:s19] =	stream.linear.scatter [tilespmem:s0], [sflag:$0x4], $0x1000, $0x38;
	[tilespmem:$0x1F000] =	vst v63  }
0x4a: {  	_ =	swait.ge [sflag:s3], $0x1000  }
0x4b: {  	[sflag:s3] =	ssyncset.done $0x0  }
0x4c: {  	s16 =	rddreg [dreg:$0xf];
	[sflag:s3] =	ssyncadd.s32 $0xFFFFF000  }
0x4d: {  	[spmem:s16] =	stream.linear.scatter [tilespmem:s0], [sflag:$0x4], $0x1000, $0x38;
	[tilespmem:$0x1F000] =	vst v63  }
0x4e: {  	_ =	swait.ge [sflag:s3], $0x1000  }
0x4f: {  	[sflag:s3] =	ssyncset.done $0x0  }
0x50: {  	s17 =	rddreg [dreg:$0x10];
	[sflag:s3] =	ssyncadd.s32 $0xFFFFF000  }
0x51: {  	[spmem:s17] =	stream.linear.scatter [tilespmem:s0], [sflag:$0x4], $0x1000, $0x38;
	[tilespmem:$0x1F000] =	vst v63  }
0x52: {  	_ =	swait.ge [sflag:s3], $0x1000  }
0x53: {  	[sflag:s3] =	ssyncset.done $0x0  }
0x54: {  	[sflag:s3] =	ssyncadd.s32 $0xFFFFF000  }
0x55: {  	[spmem:s20] =	stream.linear.scatter [tilespmem:s0], [sflag:$0x4], $0x1000, $0x38;
	[tilespmem:$0x1F000] =	vst v63  }
0x56: {  	_ =	swait.ge [sflag:s3], $0x1000  }
0x57: {  	[sflag:s3] =	ssyncset.done $0x0  }
0x58: {  	[sflag:s3] =	ssyncadd.s32 $0xFFFFF000  }
0x59: {  	[spmem:s21] =	stream.linear.scatter [tilespmem:s0], [sflag:$0x4], $0x1000, $0x38;
	[tilespmem:$0x1F000] =	vst v63  }
0x5a: {  	_ =	swait.ge [sflag:s3], $0x1000  }
0x5b: {  	[sflag:s3] =	ssyncset.done $0x0  }
0x5c: {  	[sflag:s3] =	ssyncadd.s32 $0xFFFFF000  }
0x5d: {  	[spmem:s22] =	stream.linear.scatter [tilespmem:s0], [sflag:$0x4], $0x1000, $0x38;
	[tilespmem:$0x1F000] =	vst v63  }
0x5e: {  	_ =	swait.ge [sflag:s3], $0x1000  }
0x5f: {  	[sflag:s3] =	ssyncset.done $0x0  }
0x60: {  	[sflag:s3] =	ssyncadd.s32 $0xFFFFF000  }
0x61: {  	[spmem:s23] =	stream.linear.scatter [tilespmem:s0], [sflag:$0x4], $0x1000, $0x38;
	[tilespmem:$0x1F000] =	vst v63  }
0x62: {  	_ =	swait.ge [sflag:s3], $0x1000  }
0x63: {  	[sflag:s3] =	ssyncset.done $0x0  }
0x64: {  	[sflag:s3] =	ssyncadd.s32 $0xFFFFF000  }
0x65: {  	[spmem:s24] =	stream.linear.scatter [tilespmem:s0], [sflag:$0x4], $0x1000, $0x38;
	[tilespmem:$0x1F000] =	vst v63  }
0x66: {  	_ =	swait.ge [sflag:s3], $0x1000  }
0x67: {  	[sflag:s3] =	ssyncset.done $0x0  }
0x68: {  	[sflag:s3] =	ssyncadd.s32 $0xFFFFF000  }
0x69: {  	[spmem:s25] =	stream.linear.scatter [tilespmem:s0], [sflag:$0x4], $0x1000, $0x38;
	[tilespmem:$0x1F000] =	vst v63  }
0x6a: {  	_ =	swait.ge [sflag:s3], $0x1000  }
0x6b: {  	[sflag:s3] =	ssyncset.done $0x0  }
0x6c: {  	[sflag:s3] =	ssyncadd.s32 $0xFFFFF000  }
0x6d: {  	[spmem:s26] =	stream.linear.scatter [tilespmem:s0], [sflag:$0x4], $0x1000, $0x38;
	[tilespmem:$0x1F000] =	vst v63  }
0x6e: {  	_ =	swait.ge [sflag:s3], $0x1000  }
0x6f: {  	[sflag:s3] =	ssyncset.done $0x0  }
0x70: {  	[sflag:s3] =	ssyncadd.s32 $0xFFFFF000  }
0x71: {  	[spmem:s28] =	stream.linear.scatter [tilespmem:s0], [sflag:$0x4], $0x1000, $0x38;
	[tilespmem:$0x1F000] =	vst v63  }
0x72: {  	_ =	swait.ge [sflag:s3], $0x1000  }
0x73: {  	[sflag:s3] =	ssyncset.done $0x0  }
0x74: {  	[sflag:s3] =	ssyncadd.s32 $0xFFFFF000  }
0x75: {  	[spmem:s29] =	stream.linear.scatter [tilespmem:s0], [sflag:$0x4], $0x1000, $0x38;
	[tilespmem:$0x1F000] =	vst v63  }
0x76: {  	_ =	swait.ge [sflag:s3], $0x1000  }
0x77: {  	[sflag:s3] =	ssyncset.done $0x0  }
0x78: {  	[sflag:s3] =	ssyncadd.s32 $0xFFFFF000  }
0x79: {  	[spmem:s30] =	stream.linear.scatter [tilespmem:s0], [sflag:$0x4], $0x1000, $0x38;
	[tilespmem:$0x1F000] =	vst v63  }
0x7a: {  	_ =	swait.ge [sflag:s3], $0x1000  }
0x7b: {  	[sflag:s3] =	ssyncset.done $0x0  }
0x7c: {  	[sflag:s3] =	ssyncadd.s32 $0xFFFFF000  }
0x7d: {  	[spmem:s31] =	stream.linear.scatter [tilespmem:s0], [sflag:$0x4], $0x1000, $0x38;
	[tilespmem:$0x1F000] =	vst v63  }
0x7e: {  	_ =	swait.ge [sflag:s3], $0x1000  }
0x7f: {  	[sflag:s3] =	ssyncset.done $0x0  }
0x80: {  	[sflag:s3] =	ssyncadd.s32 $0xFFFFF000  }
0x81: {  	[bflag:$0x0] =	sbarrier.arrive $0xFFFF  }
0x82: {  	_ =	swait.ge [sflag:s7], $0x800  }
0x83: {  	[sflag:s7] =	ssyncset.done $0x0  }
0x84: {  	[sflag:s7] =	ssyncadd.s32 $0xFFFFF800  }
0x85: {  	_ =	swait.ge [sflag:s7], $0x800  }
0x86: {  	p0 =	por $0x0, $0x0;
	s15 =	rddreg [dreg:$0x4]  }
0x87: {  	s14 =	sand.u32 @!p0 $0x800, s14;
	s15 =	sadd.s32 @!p0 $0x0, s15  }
0x88: {  	s18 =	simm.s32 @!p0 $0x0;
	[sflag:s7] =	ssyncset.done $0x0;
	s15 =	sshrl.u32 @!p0 s15, $0x3  }
0x89: {  	s16 =	sxor.u32 @!p0 $0x800, s14;
	[sflag:s7] =	ssyncadd.s32 $0xFFFFF800;
	s17 =	sadd.s32 @!p0 s5, s15  }
0x8a: {  	[tilespmem:s16], [sflag:$0x1] =	stream.linear.gather @!p0 [hbm4b:s17+s18], $0x800, $0x38;
	[tilespmem:$0x1F000] =	vst v63  }
0x8b: {  	s15 =	sadd.s32 @!p0 s6, s15;
	s16 =	sor.u32 @!p0 $0x1000, s16  }
0x8c: {  	[tilespmem:s16], [sflag:$0x1] =	stream.linear.gather @!p0 [hbm4b:s15+s18], $0x800, $0x38;
	[tilespmem:$0x1F000] =	vst v63  }
0x8d: {  	s14 =	simm.s32 @p0 $0x0  }
0x8e: {  	[tilespmem:s10], [sflag:$0x2] =	stream.indirect.gather [hbm4b:s1+s8], $0x80, s14, s8, $0xb8;
	[tilespmem:$0x1F000] =	vst v63  }
0x8f: {  	s18 =	sor.u32 $0x80, s14  }
0x90: {  	[tilespmem:s11], [sflag:$0x3] =	stream.indirect.gather [hbm4b:s1+s8], $0x80, s18, s8, $0xb8;
	[tilespmem:$0x1F000] =	vst v63  }
0x91: {  	_ =	swait.ge [sflag:s12], $0x3E80  }
0x92: {  	[sflag:s12] =	ssyncset.done $0x0  }
0x93: {  	s19 =	sor.u32 $0x1000, s14;
	[sflag:s12] =	ssyncadd.s32 $0xFFFFC180  }
0x94: {  	[spmem:s2] =	stream.indirect.scatter.add.f32 [tilespmem:s10], [sflag:$0x4], $0x80, s19, s8, $0xb8;
	[tilespmem:$0x1F000] =	vst v63  }
0x95: {  	_ =	swait.ge [sflag:s3], $0x3E80  }
0x96: {  	[sflag:s3] =	ssyncset.done $0x0  }
0x97: {  	s16 =	sadd.s32 $0x100, s14;
	[sflag:s3] =	ssyncadd.s32 $0xFFFFC180  }
0x98: {  	[tilespmem:s10], [sflag:$0x2] =	stream.indirect.gather [hbm4b:s1+s8], $0x80, s16, s8, $0xb8;
	[tilespmem:$0x1F000] =	vst v63  }
0x99: {  	_ =	swait.ge [sflag:s13], $0x3E80  }
0x9a: {  	[sflag:s13] =	ssyncset.done $0x0  }
0x9b: {  	s17 =	sor.u32 $0x1080, s14;
	[sflag:s13] =	ssyncadd.s32 $0xFFFFC180  }
0x9c: {  	[spmem:s2] =	stream.indirect.scatter.add.f32 [tilespmem:s11], [sflag:$0x4], $0x80, s17, s8, $0xb8;
	[tilespmem:$0x1F000] =	vst v63  }
0x9d: {  	_ =	swait.ge [sflag:s3], $0x3E80  }
0x9e: {  	[sflag:s3] =	ssyncset.done $0x0  }
0x9f: {  	s18 =	sor.u32 $0x180, s14;
	[sflag:s3] =	ssyncadd.s32 $0xFFFFC180  }
0xa0: {  	[tilespmem:s11], [sflag:$0x3] =	stream.indirect.gather [hbm4b:s1+s8], $0x80, s18, s8, $0xb8;
	[tilespmem:$0x1F000] =	vst v63  }
0xa1: {  	_ =	swait.ge [sflag:s12], $0x3E80  }
0xa2: {  	[sflag:s12] =	ssyncset.done $0x0  }
0xa3: {  	s19 =	sadd.s32 $0x1100, s14;
	[sflag:s12] =	ssyncadd.s32 $0xFFFFC180  }
0xa4: {  	[spmem:s2] =	stream.indirect.scatter.add.f32 [tilespmem:s10], [sflag:$0x4], $0x80, s19, s8, $0xb8;
	[tilespmem:$0x1F000] =	vst v63  }
0xa5: {  	_ =	swait.ge [sflag:s3], $0x3E80  }
0xa6: {  	[sflag:s3] =	ssyncset.done $0x0  }
0xa7: {  	s16 =	sadd.s32 $0x200, s14;
	[sflag:s3] =	ssyncadd.s32 $0xFFFFC180  }
0xa8: {  	[tilespmem:s10], [sflag:$0x2] =	stream.indirect.gather [hbm4b:s1+s8], $0x80, s16, s8, $0xb8;
	[tilespmem:$0x1F000] =	vst v63  }
0xa9: {  	_ =	swait.ge [sflag:s13], $0x3E80  }
0xaa: {  	[sflag:s13] =	ssyncset.done $0x0  }
0xab: {  	s17 =	sor.u32 $0x1180, s14;
	[sflag:s13] =	ssyncadd.s32 $0xFFFFC180  }
0xac: {  	[spmem:s2] =	stream.indirect.scatter.add.f32 [tilespmem:s11], [sflag:$0x4], $0x80, s17, s8, $0xb8;
	[tilespmem:$0x1F000] =	vst v63  }
0xad: {  	_ =	swait.ge [sflag:s3], $0x3E80  }
0xae: {  	[sflag:s3] =	ssyncset.done $0x0  }
0xaf: {  	s18 =	sor.u32 $0x280, s14;
	[sflag:s3] =	ssyncadd.s32 $0xFFFFC180  }
0xb0: {  	[tilespmem:s11], [sflag:$0x3] =	stream.indirect.gather [hbm4b:s1+s8], $0x80, s18, s8, $0xb8;
	[tilespmem:$0x1F000] =	vst v63  }
0xb1: {  	_ =	swait.ge [sflag:s12], $0x3E80  }
0xb2: {  	[sflag:s12] =	ssyncset.done $0x0  }
0xb3: {  	s19 =	sadd.s32 $0x1200, s14;
	[sflag:s12] =	ssyncadd.s32 $0xFFFFC180  }
0xb4: {  	[spmem:s2] =	stream.indirect.scatter.add.f32 [tilespmem:s10], [sflag:$0x4], $0x80, s19, s8, $0xb8;
	[tilespmem:$0x1F000] =	vst v63  }
0xb5: {  	_ =	swait.ge [sflag:s3], $0x3E80  }
0xb6: {  	[sflag:s3] =	ssyncset.done $0x0  }
0xb7: {  	s16 =	sadd.s32 $0x300, s14;
	[sflag:s3] =	ssyncadd.s32 $0xFFFFC180  }
0xb8: {  	[tilespmem:s10], [sflag:$0x2] =	stream.indirect.gather [hbm4b:s1+s8], $0x80, s16, s8, $0xb8;
	[tilespmem:$0x1F000] =	vst v63  }
0xb9: {  	_ =	swait.ge [sflag:s13], $0x3E80  }
0xba: {  	[sflag:s13] =	ssyncset.done $0x0  }
0xbb: {  	s17 =	sor.u32 $0x1280, s14;
	[sflag:s13] =	ssyncadd.s32 $0xFFFFC180  }
0xbc: {  	[spmem:s2] =	stream.indirect.scatter.add.f32 [tilespmem:s11], [sflag:$0x4], $0x80, s17, s8, $0xb8;
	[tilespmem:$0x1F000] =	vst v63  }
0xbd: {  	_ =	swait.ge [sflag:s3], $0x3E80  }
0xbe: {  	[sflag:s3] =	ssyncset.done $0x0  }
0xbf: {  	s18 =	sor.u32 $0x380, s14;
	[sflag:s3] =	ssyncadd.s32 $0xFFFFC180  }
0xc0: {  	[tilespmem:s11], [sflag:$0x3] =	stream.indirect.gather [hbm4b:s1+s8], $0x80, s18, s8, $0xb8;
	[tilespmem:$0x1F000] =	vst v63  }
0xc1: {  	_ =	swait.ge [sflag:s12], $0x3E80  }
0xc2: {  	[sflag:s12] =	ssyncset.done $0x0  }
0xc3: {  	s19 =	sadd.s32 $0x1300, s14;
	[sflag:s12] =	ssyncadd.s32 $0xFFFFC180  }
0xc4: {  	[spmem:s2] =	stream.indirect.scatter.add.f32 [tilespmem:s10], [sflag:$0x4], $0x80, s19, s8, $0xb8;
	[tilespmem:$0x1F000] =	vst v63  }
0xc5: {  	_ =	swait.ge [sflag:s3], $0x3E80  }
0xc6: {  	[sflag:s3] =	ssyncset.done $0x0  }
0xc7: {  	s16 =	sadd.s32 $0x400, s14;
	[sflag:s3] =	ssyncadd.s32 $0xFFFFC180  }
0xc8: {  	[tilespmem:s10], [sflag:$0x2] =	stream.indirect.gather [hbm4b:s1+s8], $0x80, s16, s8, $0xb8;
	[tilespmem:$0x1F000] =	vst v63  }
0xc9: {  	_ =	swait.ge [sflag:s13], $0x3E80  }
0xca: {  	[sflag:s13] =	ssyncset.done $0x0  }
0xcb: {  	s17 =	sor.u32 $0x1380, s14;
	[sflag:s13] =	ssyncadd.s32 $0xFFFFC180  }
0xcc: {  	[spmem:s2] =	stream.indirect.scatter.add.f32 [tilespmem:s11], [sflag:$0x4], $0x80, s17, s8, $0xb8;
	[tilespmem:$0x1F000] =	vst v63  }
0xcd: {  	_ =	swait.ge [sflag:s3], $0x3E80  }
0xce: {  	[sflag:s3] =	ssyncset.done $0x0  }
0xcf: {  	s18 =	sor.u32 $0x480, s14;
	[sflag:s3] =	ssyncadd.s32 $0xFFFFC180  }
0xd0: {  	[tilespmem:s11], [sflag:$0x3] =	stream.indirect.gather [hbm4b:s1+s8], $0x80, s18, s8, $0xb8;
	[tilespmem:$0x1F000] =	vst v63  }
0xd1: {  	_ =	swait.ge [sflag:s12], $0x3E80  }
0xd2: {  	[sflag:s12] =	ssyncset.done $0x0  }
0xd3: {  	s19 =	sadd.s32 $0x1400, s14;
	[sflag:s12] =	ssyncadd.s32 $0xFFFFC180  }
0xd4: {  	[spmem:s2] =	stream.indirect.scatter.add.f32 [tilespmem:s10], [sflag:$0x4], $0x80, s19, s8, $0xb8;
	[tilespmem:$0x1F000] =	vst v63  }
0xd5: {  	_ =	swait.ge [sflag:s3], $0x3E80  }
0xd6: {  	[sflag:s3] =	ssyncset.done $0x0  }
0xd7: {  	s16 =	sadd.s32 $0x500, s14;
	[sflag:s3] =	ssyncadd.s32 $0xFFFFC180  }
0xd8: {  	[tilespmem:s10], [sflag:$0x2] =	stream.indirect.gather [hbm4b:s1+s8], $0x80, s16, s8, $0xb8;
	[tilespmem:$0x1F000] =	vst v63  }
0xd9: {  	_ =	swait.ge [sflag:s13], $0x3E80  }
0xda: {  	[sflag:s13] =	ssyncset.done $0x0  }
0xdb: {  	s17 =	sor.u32 $0x1480, s14;
	[sflag:s13] =	ssyncadd.s32 $0xFFFFC180  }
0xdc: {  	[spmem:s2] =	stream.indirect.scatter.add.f32 [tilespmem:s11], [sflag:$0x4], $0x80, s17, s8, $0xb8;
	[tilespmem:$0x1F000] =	vst v63  }
0xdd: {  	_ =	swait.ge [sflag:s3], $0x3E80  }
0xde: {  	[sflag:s3] =	ssyncset.done $0x0  }
0xdf: {  	s18 =	sor.u32 $0x580, s14;
	[sflag:s3] =	ssyncadd.s32 $0xFFFFC180  }
0xe0: {  	[tilespmem:s11], [sflag:$0x3] =	stream.indirect.gather [hbm4b:s1+s8], $0x80, s18, s8, $0xb8;
	[tilespmem:$0x1F000] =	vst v63  }
0xe1: {  	_ =	swait.ge [sflag:s12], $0x3E80  }
0xe2: {  	[sflag:s12] =	ssyncset.done $0x0  }
0xe3: {  	s19 =	sadd.s32 $0x1500, s14;
	[sflag:s12] =	ssyncadd.s32 $0xFFFFC180  }
0xe4: {  	[spmem:s2] =	stream.indirect.scatter.add.f32 [tilespmem:s10], [sflag:$0x4], $0x80, s19, s8, $0xb8;
	[tilespmem:$0x1F000] =	vst v63  }
0xe5: {  	_ =	swait.ge [sflag:s3], $0x3E80  }
0xe6: {  	[sflag:s3] =	ssyncset.done $0x0  }
0xe7: {  	s16 =	sadd.s32 $0x600, s14;
	[sflag:s3] =	ssyncadd.s32 $0xFFFFC180  }
0xe8: {  	[tilespmem:s10], [sflag:$0x2] =	stream.indirect.gather [hbm4b:s1+s8], $0x80, s16, s8, $0xb8;
	[tilespmem:$0x1F000] =	vst v63  }
0xe9: {  	_ =	swait.ge [sflag:s13], $0x3E80  }
0xea: {  	[sflag:s13] =	ssyncset.done $0x0  }
0xeb: {  	s17 =	sor.u32 $0x1580, s14;
	[sflag:s13] =	ssyncadd.s32 $0xFFFFC180  }
0xec: {  	[spmem:s2] =	stream.indirect.scatter.add.f32 [tilespmem:s11], [sflag:$0x4], $0x80, s17, s8, $0xb8;
	[tilespmem:$0x1F000] =	vst v63  }
0xed: {  	_ =	swait.ge [sflag:s3], $0x3E80  }
0xee: {  	[sflag:s3] =	ssyncset.done $0x0  }
0xef: {  	s18 =	sor.u32 $0x680, s14;
	[sflag:s3] =	ssyncadd.s32 $0xFFFFC180  }
0xf0: {  	[tilespmem:s11], [sflag:$0x3] =	stream.indirect.gather [hbm4b:s1+s8], $0x80, s18, s8, $0xb8;
	[tilespmem:$0x1F000] =	vst v63  }
0xf1: {  	_ =	swait.ge [sflag:s12], $0x3E80  }
0xf2: {  	[sflag:s12] =	ssyncset.done $0x0  }
0xf3: {  	s19 =	sadd.s32 $0x1600, s14;
	[sflag:s12] =	ssyncadd.s32 $0xFFFFC180  }
0xf4: {  	[spmem:s2] =	stream.indirect.scatter.add.f32 [tilespmem:s10], [sflag:$0x4], $0x80, s19, s8, $0xb8;
	[tilespmem:$0x1F000] =	vst v63  }
0xf5: {  	_ =	swait.ge [sflag:s3], $0x3E80  }
0xf6: {  	[sflag:s3] =	ssyncset.done $0x0  }
0xf7: {  	s16 =	sadd.s32 $0x700, s14;
	[sflag:s3] =	ssyncadd.s32 $0xFFFFC180  }
0xf8: {  	[tilespmem:s10], [sflag:$0x2] =	stream.indirect.gather [hbm4b:s1+s8], $0x80, s16, s8, $0xb8;
	[tilespmem:$0x1F000] =	vst v63  }
0xf9: {  	_ =	swait.ge [sflag:s13], $0x3E80  }
0xfa: {  	[sflag:s13] =	ssyncset.done $0x0  }
0xfb: {  	s17 =	sor.u32 $0x1680, s14;
	[sflag:s13] =	ssyncadd.s32 $0xFFFFC180  }
0xfc: {  	[spmem:s2] =	stream.indirect.scatter.add.f32 [tilespmem:s11], [sflag:$0x4], $0x80, s17, s8, $0xb8;
	[tilespmem:$0x1F000] =	vst v63  }
0xfd: {  	_ =	swait.ge [sflag:s3], $0x3E80  }
0xfe: {  	[sflag:s3] =	ssyncset.done $0x0  }
0xff: {  	s18 =	sor.u32 $0x780, s14;
	[sflag:s3] =	ssyncadd.s32 $0xFFFFC180  }
0x100: {  	[tilespmem:s11], [sflag:$0x3] =	stream.indirect.gather [hbm4b:s1+s8], $0x80, s18, s8, $0xb8;
	[tilespmem:$0x1F000] =	vst v63  }
0x101: {  	_ =	swait.ge [sflag:s12], $0x3E80  }
0x102: {  	[sflag:s12] =	ssyncset.done $0x0  }
0x103: {  	s19 =	sadd.s32 $0x1700, s14;
	[sflag:s12] =	ssyncadd.s32 $0xFFFFC180  }
0x104: {  	[spmem:s2] =	stream.indirect.scatter.add.f32 [tilespmem:s10], [sflag:$0x4], $0x80, s19, s8, $0xb8;
	[tilespmem:$0x1F000] =	vst v63  }
0x105: {  	_ =	swait.ge [sflag:s3], $0x3E80  }
0x106: {  	[sflag:s3] =	ssyncset.done $0x0  }
0x107: {  	[sflag:s3] =	ssyncadd.s32 $0xFFFFC180  }
0x108: {  	_ =	swait.ge [sflag:s13], $0x3E80  }
0x109: {  	[sflag:s13] =	ssyncset.done $0x0  }
0x10a: {  	s14 =	sor.u32 $0x1780, s14;
	[sflag:s13] =	ssyncadd.s32 $0xFFFFC180  }
0x10b: {  	[spmem:s2] =	stream.indirect.scatter.add.f32 [tilespmem:s11], [sflag:$0x4], $0x80, s14, s8, $0xb8;
	[tilespmem:$0x1F000] =	vst v63  }
0x10c: {  	_ =	swait.ge [sflag:s3], $0x3E80  }
0x10d: {  	s14 =	simm.s32 $0x800;
	[sflag:s3] =	ssyncset.done $0x0  }
.LBB2_4:
0x10e: {  	[sflag:s3] =	ssyncadd.s32 $0xFFFFC180  }
0x10f: {  	_ =	swait.ge [sflag:s7], $0x800  }
0x110: {  	[sflag:s7] =	ssyncset.done $0x0  }
0x111: {  	[sflag:s7] =	ssyncadd.s32 $0xFFFFF800  }
0x112: {  	s15 =	smov.u32 s14;
	_ =	swait.ge [sflag:s7], $0x800  }
0x113: {  	p1 =	seq.s32 s15, $0x2000;
	s16 =	rddreg [dreg:$0x4]  }
0x114: {  	s19 =	simm.s32 @!p1 $0x0;
	s16 =	sadd.s32 @!p1 s15, s16  }
0x115: {  	[sflag:s7] =	ssyncset.done $0x0;
	s15 =	sand.u32 @!p1 $0x800, s15;
	s16 =	sshrl.u32 @!p1 s16, $0x3  }
0x116: {  	[sflag:s7] =	ssyncadd.s32 $0xFFFFF800;
	s17 =	sxor.u32 @!p1 $0x800, s15;
	s18 =	sadd.s32 @!p1 s5, s16  }
0x117: {  	[tilespmem:s17], [sflag:$0x1] =	stream.linear.gather @!p1 [hbm4b:s18+s19], $0x800, $0x38;
	[tilespmem:$0x1F000] =	vst v63  }
0x118: {  	s16 =	sadd.s32 @!p1 s6, s16;
	s17 =	sor.u32 @!p1 $0x1000, s17  }
0x119: {  	[tilespmem:s17], [sflag:$0x1] =	stream.linear.gather @!p1 [hbm4b:s16+s19], $0x800, $0x38;
	[tilespmem:$0x1F000] =	vst v63  }
0x11a: {  	s15 =	simm.s32 @p1 $0x0  }
0x11b: {  	[tilespmem:s10], [sflag:$0x2] =	stream.indirect.gather [hbm4b:s1+s8], $0x80, s15, s8, $0xb8;
	[tilespmem:$0x1F000] =	vst v63  }
0x11c: {  	s17 =	sor.u32 $0x80, s15  }
0x11d: {  	[tilespmem:s11], [sflag:$0x3] =	stream.indirect.gather [hbm4b:s1+s8], $0x80, s17, s8, $0xb8;
	[tilespmem:$0x1F000] =	vst v63  }
0x11e: {  	_ =	swait.ge [sflag:s12], $0x3E80  }
0x11f: {  	[sflag:s12] =	ssyncset.done $0x0  }
0x120: {  	s18 =	sor.u32 $0x1000, s15;
	[sflag:s12] =	ssyncadd.s32 $0xFFFFC180  }
0x121: {  	[spmem:s2] =	stream.indirect.scatter.add.f32 [tilespmem:s10], [sflag:$0x4], $0x80, s18, s8, $0xb8;
	[tilespmem:$0x1F000] =	vst v63  }
0x122: {  	_ =	swait.ge [sflag:s3], $0x3E80  }
0x123: {  	[sflag:s3] =	ssyncset.done $0x0  }
0x124: {  	s19 =	sadd.s32 $0x100, s15;
	[sflag:s3] =	ssyncadd.s32 $0xFFFFC180  }
0x125: {  	[tilespmem:s10], [sflag:$0x2] =	stream.indirect.gather [hbm4b:s1+s8], $0x80, s19, s8, $0xb8;
	[tilespmem:$0x1F000] =	vst v63  }
0x126: {  	_ =	swait.ge [sflag:s13], $0x3E80  }
0x127: {  	[sflag:s13] =	ssyncset.done $0x0  }
0x128: {  	s17 =	sor.u32 $0x1080, s15;
	[sflag:s13] =	ssyncadd.s32 $0xFFFFC180  }
0x129: {  	[spmem:s2] =	stream.indirect.scatter.add.f32 [tilespmem:s11], [sflag:$0x4], $0x80, s17, s8, $0xb8;
	[tilespmem:$0x1F000] =	vst v63  }
0x12a: {  	_ =	swait.ge [sflag:s3], $0x3E80  }
0x12b: {  	[sflag:s3] =	ssyncset.done $0x0  }
0x12c: {  	s18 =	sor.u32 $0x180, s15;
	[sflag:s3] =	ssyncadd.s32 $0xFFFFC180  }
0x12d: {  	[tilespmem:s11], [sflag:$0x3] =	stream.indirect.gather [hbm4b:s1+s8], $0x80, s18, s8, $0xb8;
	[tilespmem:$0x1F000] =	vst v63  }
0x12e: {  	_ =	swait.ge [sflag:s12], $0x3E80  }
0x12f: {  	[sflag:s12] =	ssyncset.done $0x0  }
0x130: {  	s19 =	sadd.s32 $0x1100, s15;
	[sflag:s12] =	ssyncadd.s32 $0xFFFFC180  }
0x131: {  	[spmem:s2] =	stream.indirect.scatter.add.f32 [tilespmem:s10], [sflag:$0x4], $0x80, s19, s8, $0xb8;
	[tilespmem:$0x1F000] =	vst v63  }
0x132: {  	_ =	swait.ge [sflag:s3], $0x3E80  }
0x133: {  	[sflag:s3] =	ssyncset.done $0x0  }
0x134: {  	s17 =	sadd.s32 $0x200, s15;
	[sflag:s3] =	ssyncadd.s32 $0xFFFFC180  }
0x135: {  	[tilespmem:s10], [sflag:$0x2] =	stream.indirect.gather [hbm4b:s1+s8], $0x80, s17, s8, $0xb8;
	[tilespmem:$0x1F000] =	vst v63  }
0x136: {  	_ =	swait.ge [sflag:s13], $0x3E80  }
0x137: {  	[sflag:s13] =	ssyncset.done $0x0  }
0x138: {  	s18 =	sor.u32 $0x1180, s15;
	[sflag:s13] =	ssyncadd.s32 $0xFFFFC180  }
0x139: {  	[spmem:s2] =	stream.indirect.scatter.add.f32 [tilespmem:s11], [sflag:$0x4], $0x80, s18, s8, $0xb8;
	[tilespmem:$0x1F000] =	vst v63  }
0x13a: {  	_ =	swait.ge [sflag:s3], $0x3E80  }
0x13b: {  	[sflag:s3] =	ssyncset.done $0x0  }
0x13c: {  	s19 =	sor.u32 $0x280, s15;
	[sflag:s3] =	ssyncadd.s32 $0xFFFFC180  }
0x13d: {  	[tilespmem:s11], [sflag:$0x3] =	stream.indirect.gather [hbm4b:s1+s8], $0x80, s19, s8, $0xb8;
	[tilespmem:$0x1F000] =	vst v63  }
0x13e: {  	_ =	swait.ge [sflag:s12], $0x3E80  }
0x13f: {  	[sflag:s12] =	ssyncset.done $0x0  }
0x140: {  	s17 =	sadd.s32 $0x1200, s15;
	[sflag:s12] =	ssyncadd.s32 $0xFFFFC180  }
0x141: {  	[spmem:s2] =	stream.indirect.scatter.add.f32 [tilespmem:s10], [sflag:$0x4], $0x80, s17, s8, $0xb8;
	[tilespmem:$0x1F000] =	vst v63  }
0x142: {  	_ =	swait.ge [sflag:s3], $0x3E80  }
0x143: {  	[sflag:s3] =	ssyncset.done $0x0  }
0x144: {  	s18 =	sadd.s32 $0x300, s15;
	[sflag:s3] =	ssyncadd.s32 $0xFFFFC180  }
0x145: {  	[tilespmem:s10], [sflag:$0x2] =	stream.indirect.gather [hbm4b:s1+s8], $0x80, s18, s8, $0xb8;
	[tilespmem:$0x1F000] =	vst v63  }
0x146: {  	_ =	swait.ge [sflag:s13], $0x3E80  }
0x147: {  	[sflag:s13] =	ssyncset.done $0x0  }
0x148: {  	s19 =	sor.u32 $0x1280, s15;
	[sflag:s13] =	ssyncadd.s32 $0xFFFFC180  }
0x149: {  	[spmem:s2] =	stream.indirect.scatter.add.f32 [tilespmem:s11], [sflag:$0x4], $0x80, s19, s8, $0xb8;
	[tilespmem:$0x1F000] =	vst v63  }
0x14a: {  	_ =	swait.ge [sflag:s3], $0x3E80  }
0x14b: {  	[sflag:s3] =	ssyncset.done $0x0  }
0x14c: {  	s17 =	sor.u32 $0x380, s15;
	[sflag:s3] =	ssyncadd.s32 $0xFFFFC180  }
0x14d: {  	[tilespmem:s11], [sflag:$0x3] =	stream.indirect.gather [hbm4b:s1+s8], $0x80, s17, s8, $0xb8;
	[tilespmem:$0x1F000] =	vst v63  }
0x14e: {  	_ =	swait.ge [sflag:s12], $0x3E80  }
0x14f: {  	[sflag:s12] =	ssyncset.done $0x0  }
0x150: {  	s18 =	sadd.s32 $0x1300, s15;
	[sflag:s12] =	ssyncadd.s32 $0xFFFFC180  }
0x151: {  	[spmem:s2] =	stream.indirect.scatter.add.f32 [tilespmem:s10], [sflag:$0x4], $0x80, s18, s8, $0xb8;
	[tilespmem:$0x1F000] =	vst v63  }
0x152: {  	_ =	swait.ge [sflag:s3], $0x3E80  }
0x153: {  	[sflag:s3] =	ssyncset.done $0x0  }
0x154: {  	s19 =	sadd.s32 $0x400, s15;
	[sflag:s3] =	ssyncadd.s32 $0xFFFFC180  }
0x155: {  	[tilespmem:s10], [sflag:$0x2] =	stream.indirect.gather [hbm4b:s1+s8], $0x80, s19, s8, $0xb8;
	[tilespmem:$0x1F000] =	vst v63  }
0x156: {  	_ =	swait.ge [sflag:s13], $0x3E80  }
0x157: {  	[sflag:s13] =	ssyncset.done $0x0  }
0x158: {  	s17 =	sor.u32 $0x1380, s15;
	[sflag:s13] =	ssyncadd.s32 $0xFFFFC180  }
0x159: {  	[spmem:s2] =	stream.indirect.scatter.add.f32 [tilespmem:s11], [sflag:$0x4], $0x80, s17, s8, $0xb8;
	[tilespmem:$0x1F000] =	vst v63  }
0x15a: {  	_ =	swait.ge [sflag:s3], $0x3E80  }
0x15b: {  	[sflag:s3] =	ssyncset.done $0x0  }
0x15c: {  	s18 =	sor.u32 $0x480, s15;
	[sflag:s3] =	ssyncadd.s32 $0xFFFFC180  }
0x15d: {  	[tilespmem:s11], [sflag:$0x3] =	stream.indirect.gather [hbm4b:s1+s8], $0x80, s18, s8, $0xb8;
	[tilespmem:$0x1F000] =	vst v63  }
0x15e: {  	_ =	swait.ge [sflag:s12], $0x3E80  }
0x15f: {  	[sflag:s12] =	ssyncset.done $0x0  }
0x160: {  	s19 =	sadd.s32 $0x1400, s15;
	[sflag:s12] =	ssyncadd.s32 $0xFFFFC180  }
0x161: {  	[spmem:s2] =	stream.indirect.scatter.add.f32 [tilespmem:s10], [sflag:$0x4], $0x80, s19, s8, $0xb8;
	[tilespmem:$0x1F000] =	vst v63  }
0x162: {  	_ =	swait.ge [sflag:s3], $0x3E80  }
0x163: {  	[sflag:s3] =	ssyncset.done $0x0  }
0x164: {  	s17 =	sadd.s32 $0x500, s15;
	[sflag:s3] =	ssyncadd.s32 $0xFFFFC180  }
0x165: {  	[tilespmem:s10], [sflag:$0x2] =	stream.indirect.gather [hbm4b:s1+s8], $0x80, s17, s8, $0xb8;
	[tilespmem:$0x1F000] =	vst v63  }
0x166: {  	_ =	swait.ge [sflag:s13], $0x3E80  }
0x167: {  	[sflag:s13] =	ssyncset.done $0x0  }
0x168: {  	s18 =	sor.u32 $0x1480, s15;
	[sflag:s13] =	ssyncadd.s32 $0xFFFFC180  }
0x169: {  	[spmem:s2] =	stream.indirect.scatter.add.f32 [tilespmem:s11], [sflag:$0x4], $0x80, s18, s8, $0xb8;
	[tilespmem:$0x1F000] =	vst v63  }
0x16a: {  	_ =	swait.ge [sflag:s3], $0x3E80  }
0x16b: {  	[sflag:s3] =	ssyncset.done $0x0  }
0x16c: {  	s19 =	sor.u32 $0x580, s15;
	[sflag:s3] =	ssyncadd.s32 $0xFFFFC180  }
0x16d: {  	[tilespmem:s11], [sflag:$0x3] =	stream.indirect.gather [hbm4b:s1+s8], $0x80, s19, s8, $0xb8;
	[tilespmem:$0x1F000] =	vst v63  }
0x16e: {  	_ =	swait.ge [sflag:s12], $0x3E80  }
0x16f: {  	[sflag:s12] =	ssyncset.done $0x0  }
0x170: {  	s17 =	sadd.s32 $0x1500, s15;
	[sflag:s12] =	ssyncadd.s32 $0xFFFFC180  }
0x171: {  	[spmem:s2] =	stream.indirect.scatter.add.f32 [tilespmem:s10], [sflag:$0x4], $0x80, s17, s8, $0xb8;
	[tilespmem:$0x1F000] =	vst v63  }
0x172: {  	_ =	swait.ge [sflag:s3], $0x3E80  }
0x173: {  	[sflag:s3] =	ssyncset.done $0x0  }
0x174: {  	s18 =	sadd.s32 $0x600, s15;
	[sflag:s3] =	ssyncadd.s32 $0xFFFFC180  }
0x175: {  	[tilespmem:s10], [sflag:$0x2] =	stream.indirect.gather [hbm4b:s1+s8], $0x80, s18, s8, $0xb8;
	[tilespmem:$0x1F000] =	vst v63  }
0x176: {  	_ =	swait.ge [sflag:s13], $0x3E80  }
0x177: {  	[sflag:s13] =	ssyncset.done $0x0  }
0x178: {  	s19 =	sor.u32 $0x1580, s15;
	[sflag:s13] =	ssyncadd.s32 $0xFFFFC180  }
0x179: {  	[spmem:s2] =	stream.indirect.scatter.add.f32 [tilespmem:s11], [sflag:$0x4], $0x80, s19, s8, $0xb8;
	[tilespmem:$0x1F000] =	vst v63  }
0x17a: {  	_ =	swait.ge [sflag:s3], $0x3E80  }
0x17b: {  	[sflag:s3] =	ssyncset.done $0x0  }
0x17c: {  	s17 =	sor.u32 $0x680, s15;
	[sflag:s3] =	ssyncadd.s32 $0xFFFFC180  }
0x17d: {  	[tilespmem:s11], [sflag:$0x3] =	stream.indirect.gather [hbm4b:s1+s8], $0x80, s17, s8, $0xb8;
	[tilespmem:$0x1F000] =	vst v63  }
0x17e: {  	_ =	swait.ge [sflag:s12], $0x3E80  }
0x17f: {  	[sflag:s12] =	ssyncset.done $0x0  }
0x180: {  	s18 =	sadd.s32 $0x1600, s15;
	[sflag:s12] =	ssyncadd.s32 $0xFFFFC180  }
0x181: {  	[spmem:s2] =	stream.indirect.scatter.add.f32 [tilespmem:s10], [sflag:$0x4], $0x80, s18, s8, $0xb8;
	[tilespmem:$0x1F000] =	vst v63  }
0x182: {  	_ =	swait.ge [sflag:s3], $0x3E80  }
0x183: {  	[sflag:s3] =	ssyncset.done $0x0  }
0x184: {  	s19 =	sadd.s32 $0x700, s15;
	[sflag:s3] =	ssyncadd.s32 $0xFFFFC180  }
0x185: {  	[tilespmem:s10], [sflag:$0x2] =	stream.indirect.gather [hbm4b:s1+s8], $0x80, s19, s8, $0xb8;
	[tilespmem:$0x1F000] =	vst v63  }
0x186: {  	_ =	swait.ge [sflag:s13], $0x3E80  }
0x187: {  	[sflag:s13] =	ssyncset.done $0x0  }
0x188: {  	s17 =	sor.u32 $0x1680, s15;
	[sflag:s13] =	ssyncadd.s32 $0xFFFFC180  }
0x189: {  	[spmem:s2] =	stream.indirect.scatter.add.f32 [tilespmem:s11], [sflag:$0x4], $0x80, s17, s8, $0xb8;
	[tilespmem:$0x1F000] =	vst v63  }
0x18a: {  	_ =	swait.ge [sflag:s3], $0x3E80  }
0x18b: {  	[sflag:s3] =	ssyncset.done $0x0  }
0x18c: {  	s18 =	sor.u32 $0x780, s15;
	[sflag:s3] =	ssyncadd.s32 $0xFFFFC180  }
0x18d: {  	[tilespmem:s11], [sflag:$0x3] =	stream.indirect.gather [hbm4b:s1+s8], $0x80, s18, s8, $0xb8;
	[tilespmem:$0x1F000] =	vst v63  }
0x18e: {  	_ =	swait.ge [sflag:s12], $0x3E80  }
0x18f: {  	[sflag:s12] =	ssyncset.done $0x0  }
0x190: {  	s19 =	sadd.s32 $0x1700, s15;
	[sflag:s12] =	ssyncadd.s32 $0xFFFFC180  }
0x191: {  	[spmem:s2] =	stream.indirect.scatter.add.f32 [tilespmem:s10], [sflag:$0x4], $0x80, s19, s8, $0xb8;
	[tilespmem:$0x1F000] =	vst v63  }
0x192: {  	_ =	swait.ge [sflag:s3], $0x3E80  }
0x193: {  	[sflag:s3] =	ssyncset.done $0x0  }
0x194: {  	s14 =	sadd.s32 $0x800, s14;
	[sflag:s3] =	ssyncadd.s32 $0xFFFFC180  }
0x195: {  	p0 =	sne.s32 s14, $0x2800;
	_ =	swait.ge [sflag:s13], $0x3E80  }
.Ltmp1:
0x196: {  	[sflag:s13] =	ssyncset.done $0x0;
	(pc) =	sbr.rel @p0 .LBB2_4-.Ltmp1, $4  }
0x197: {  	s15 =	sor.u32 $0x1780, s15;
	[sflag:s13] =	ssyncadd.s32 $0xFFFFC180  }
0x198: {  	[spmem:s2] =	stream.indirect.scatter.add.f32 [tilespmem:s11], [sflag:$0x4], $0x80, s15, s8, $0xb8;
	[tilespmem:$0x1F000] =	vst v63  }
0x199: {  	_ =	swait.ge [sflag:s3], $0x3E80  }
0x19a: {  	[sflag:s3] =	ssyncset.done $0x0  }
0x19b: {  	[sflag:s3] =	ssyncadd.s32 $0xFFFFC180;
	s14 =	stileid.u32  }
0x19c: {  	s14 =	sshll.u32 s14, $0x6;
	[bflag:$0x0] =	sbarrier.arrive $0xFFFF  }
0x19d: {  	s15 =	sshrl.u32 s9, $0x3;
	s14 =	sor.u32 $0x1C04, s14;
	s16 =	rddreg [dreg:$0x7]  }
0x19e: {  	[hbm:s16], [sflag:s14] =	dma.local [spmem:s15], $0x2800  }
0x19f: {  	_ =	swait.ge [sflag:s3], $0x2800  }
0x1a0: {  	s4 =	sadd.s32 $0x1, s4;
	s19 =	rddreg [dreg:$0x8]  }
0x1a1: {  	p0 =	sne.s32 s4, s19  }
.Ltmp2:
0x1a2: {  	_ = 	snop;
	(pc) =	sbr.rel @p0 .LBB2_1-.Ltmp2, $3  }
0x1a3: {  	_ =	sdelay $0x1  }
0x1a4: {  	[sflag:s3] =	ssyncset.done $0x0  }
0x1a5: {  	[sflag:s3] =	ssyncadd.s32 $0xFFFFD800  }
0x1a6: {  	_ =	sfence.sel $0x180000  }
0x1a7: {  	[bflag:$0x0] =	sbarrier.arrive $0xFFFF  }
0x1a8: {  	_ =	strace $0x9000004A  }
0x1a9: {  	s0 =	stileid.u32;
	[bflag:$0x2] =	sbarrier.arrive $0xFFFF  }
0x1aa: {  	p0 =	sne.s32 s0, $0x0;
	s0 =	rddreg [dreg:$0x3]  }
0x1ab: {  	s0 =	sadd.s32 @!p0 $0x100000, s0  }
0x1ac: {  	[sflag:s0] =	ssyncadd.tile.s32 @!p0 $0x1;
	_ =	shalt  }
.Lfunc_end2:
_tile_overlayer_lowered:
.L_overlay_start_2:
0x1ad: {  	(tag) =	ssettag $0x2  }
0x1ae: {  	s0 =	rddreg [dreg:$0x0];
	s2 =	stileid.u32  }
0x1af: {  	s1 =	rddreg [dreg:$0x1];
	p0 =	sne.s32 s2, $0x0  }
0x1b0: {  	s3 =	rddreg [dreg:$0x2];
	[bflag:$0x3] =	sbarrier.arrive $0xFFFF;
	s2 =	simm.s32 @!p0 $0x1C04  }
0x1b1: {  	[timem:s3], [sflag:s2] =	dma.local @!p0 [hbm:s0], s1  }
0x1b2: {  	s0 =	simm.s32 @!p0 $0x4  }
0x1b3: {  	_ =	swait.ge @!p0 [sflag:s0], s1  }
0x1b4: {  	s1 =	ssub.s32 @!p0 $0x0, s1;
	[sflag:s0] =	ssyncset.done @!p0 $0x0  }
0x1b5: {  	[sflag:s0] =	ssyncadd.s32 @!p0 s1  }
0x1b6: {  	[bflag:$0x3] =	sbarrier.arrive $0xFFFF  }
0x1b7: {  	_ =	shalt  }

// kernel: kernel.7.cloned.1.call-start
scs
__scs_entry_jumppad:
0x0: {  	(pc) =	sbr.rel $0x88, $3  }
0x1: {  	(tag) =	ssettag $0x0;
	lr =	simm.s32 $0x1  }
0x2: {  	[smem:$0x3F9D] =	sst lr;
	_ =	strace $0xD0000000  }
0x3: {  	_ = 	snop  }
0x4: {  	_ = 	snop  }
0x5: {  	_ = 	snop  }
0x6: {  	_ = 	snop  }
0x7: {  	_ = 	snop  }
__scs_overlays_trampoline_lowered:
0x8: {  	[smem:$0x3FAC] =	sst s0  }
0x9: {  	[smem:$0x3FAD] =	sst s1  }
0xa: {  	[smem:$0x3FAE] =	sst s2  }
0xb: {  	[smem:$0x3FAF] =	sst s3  }
0xc: {  	[smem:$0x3FB0] =	sst s4  }
0xd: {  	[smem:$0x3FB1] =	sst s5  }
0xe: {  	[smem:$0x3FB2] =	sst s6  }
0xf: {  	[smem:$0x3FB3] =	sst s7  }
0x10: {  	[smem:$0x3FB4] =	sst s8  }
0x11: {  	[smem:$0x3FB5] =	sst s9;
	s0 =	simm.s32 @!p0 $0x0  }
0x12: {  	s1 =	sld [smem:$0x3F9B];
	s0 =	simm.s32 @p0 $0x1  }
0x13: {  	[smem:$0x3FB6] =	sst s0;
	s0 =	simm.s32 @!p1 $0x0  }
0x14: {  	s2 =	sld [smem:$0x3F9A];
	s0 =	simm.s32 @p1 $0x1  }
0x15: {  	[smem:$0x3FB7] =	sst s0;
	s0 =	simm.s32 @!p2 $0x0  }
0x16: {  	s3 =	sld [smem:$0x3FDB];
	s0 =	simm.s32 @p2 $0x1  }
0x17: {  	s4 =	simm.s32 $0x1BF5;
	[smem:$0x3FB9] =	sst s0  }
0x18: {  	s0 =	sld [smem:$0x3F9C];
	_ =	swait.ge [sflag:s4], $0x0  }
0x19: {  	s7 =	sld [smem:$0x3F9D]  }
0x1a: {  	s8 =	sadd.s32 $0xFFFFE003, lr  }
0x1b: {  	s9 =	sadd.s32 $0xFFFFFEF7, lr;
	s5 =	simm.s32 $0xFFFFFFFF;
	p2 =	slt.u32 s8, $0xFFFFF086  }
0x1c: {  	p1 =	slt.u32 s9, $0xF7A;
	s5 =	simm.s32 @!p2 $0x0  }
0x1d: {  	s5 =	simm.s32 @p1 $0x1;
	p0 =	seq.s32 s7, s2  }
0x1e: {  	s7 =	smul.u32 @!p0 $0xF7A, s2;
	p2 =	seq.s32 @!p0 s5, $0x0  }
0x1f: {  	s9 =	smul.u32 $0xF7A, s1;
	s8 =	simm.s32 @!p0 $0x1BF5;
	p2 =	por !p2, p0  }
0x20: {  	[sflag:s8] =	ssyncset.s32 @!p0 $0xFFFFF086;
	s6 =	sadd.s32 @!p0 s3, s7;
	s7 =	simm.s32 @!p0 $0x108  }
0x21: {  	s3 =	sadd.s32 s3, s9;
	s6 =	sadd.s32 @!p0 $0x88, s6;
	s7 =	simm.s32 @p2 $0x1082  }
0x22: {  	[simem:s7], [sflag:s8] =	dma.local @!p0 [hbm:s6], $0xF7A  }
0x23: {  	s9 =	sor.u32 $0xD0000000, s2;
	s6 =	simm.s32 $0x108;
	_ =	swait.ge @!p0 [sflag:s8], $0x0  }
0x24: {  	s3 =	sadd.s32 $0x88, s3;
	s6 =	simm.s32 @!p1 $0x1082;
	[sflag:s4] =	ssyncset.s32 $0xFFFFF086  }
0x25: {  	[simem:s6], [sflag:s4] =	dma.local [hbm:s3], $0xF7A  }
0x26: {  	[smem:$0x3F9D] =	sst s1;
	(tag) =	ssettag s2;
	_ =	strace s9  }
0x27: {  	s1 =	sld [smem:$0x3FAD]  }
0x28: {  	s2 =	sld [smem:$0x3FAE]  }
0x29: {  	s4 =	sld [smem:$0x3FB0]  }
0x2a: {  	p0 =	seq.s32 s5, $0x0;
	s5 =	sld [smem:$0x3FB1]  }
0x2b: {  	s6 =	sld [smem:$0x3FB2]  }
0x2c: {  	s7 =	sld [smem:$0x3FB3]  }
0x2d: {  	s3 =	simm.s32 $0x108;
	s8 =	sld [smem:$0x3FB4]  }
0x2e: {  	s3 =	simm.s32 @!p0 $0x1082;
	s9 =	sld [smem:$0x3FB5]  }
0x2f: {  	lr =	sadd.s32 s0, s3;
	s0 =	sld [smem:$0x3FAC]  }
0x30: {  	s3 =	sld [smem:$0x3FAF]  }
0x31: {  	[smem:$0x3FB8] =	sst s10  }
0x32: {  	s10 =	sld [smem:$0x3FB6];
	_ =	sdelay $0x3  }
0x33: {  	p0 =	seq.s32 s10, $0x1;
	s10 =	sld [smem:$0x3FB8];
	_ =	sdelay $0x3  }
0x34: {  	[smem:$0x3FB8] =	sst s10  }
0x35: {  	s10 =	sld [smem:$0x3FB7];
	_ =	sdelay $0x3  }
0x36: {  	p1 =	seq.s32 s10, $0x1;
	s10 =	sld [smem:$0x3FB8];
	_ =	sdelay $0x3  }
0x37: {  	[smem:$0x3FB8] =	sst s10  }
0x38: {  	s10 =	sld [smem:$0x3FB9]  }
0x39: {  	_ = 	snop;
	(pc) =	sbr.ind lr, $3  }
0x3a: {  	_ = 	snop  }
0x3b: {  	_ = 	snop  }
0x3c: {  	p2 =	seq.s32 s10, $0x1;
	s10 =	sld [smem:$0x3FB8]  }
0x3d: {  	_ =	shalt  }
0x3e: {  	_ =	shalt  }
0x3f: {  	_ =	shalt  }
0x40: {  	_ =	shalt  }
0x41: {  	_ =	shalt  }
0x42: {  	_ =	shalt  }
0x43: {  	_ =	shalt  }
0x44: {  	_ =	shalt  }
0x45: {  	_ =	shalt  }
0x46: {  	_ =	shalt  }
0x47: {  	_ =	shalt  }
0x48: {  	_ =	shalt  }
0x49: {  	_ =	shalt  }
0x4a: {  	_ =	shalt  }
0x4b: {  	_ =	shalt  }
0x4c: {  	_ =	shalt  }
0x4d: {  	_ =	shalt  }
0x4e: {  	_ =	shalt  }
0x4f: {  	_ =	shalt  }
0x50: {  	_ =	shalt  }
0x51: {  	_ =	shalt  }
0x52: {  	_ =	shalt  }
0x53: {  	_ =	shalt  }
0x54: {  	_ =	shalt  }
0x55: {  	_ =	shalt  }
0x56: {  	_ =	shalt  }
0x57: {  	_ =	shalt  }
0x58: {  	_ =	shalt  }
0x59: {  	_ =	shalt  }
0x5a: {  	_ =	shalt  }
0x5b: {  	_ =	shalt  }
0x5c: {  	_ =	shalt  }
0x5d: {  	_ =	shalt  }
0x5e: {  	_ =	shalt  }
0x5f: {  	_ =	shalt  }
0x60: {  	_ =	shalt  }
0x61: {  	_ =	shalt  }
0x62: {  	_ =	shalt  }
0x63: {  	_ =	shalt  }
0x64: {  	_ =	shalt  }
0x65: {  	_ =	shalt  }
0x66: {  	_ =	shalt  }
0x67: {  	_ =	shalt  }
0x68: {  	_ =	shalt  }
0x69: {  	_ =	shalt  }
0x6a: {  	_ =	shalt  }
0x6b: {  	_ =	shalt  }
0x6c: {  	_ =	shalt  }
0x6d: {  	_ =	shalt  }
0x6e: {  	_ =	shalt  }
0x6f: {  	_ =	shalt  }
0x70: {  	_ =	shalt  }
0x71: {  	_ =	shalt  }
0x72: {  	_ =	shalt  }
0x73: {  	_ =	shalt  }
0x74: {  	_ =	shalt  }
0x75: {  	_ =	shalt  }
0x76: {  	_ =	shalt  }
0x77: {  	_ =	shalt  }
0x78: {  	_ =	shalt  }
0x79: {  	_ =	shalt  }
0x7a: {  	_ =	shalt  }
0x7b: {  	_ =	shalt  }
0x7c: {  	_ =	shalt  }
0x7d: {  	_ =	shalt  }
0x7e: {  	_ =	shalt  }
0x7f: {  	_ =	shalt  }
0x80: {  	_ =	shalt  }
0x81: {  	_ =	shalt  }
0x82: {  	_ =	shalt  }
0x83: {  	_ =	shalt  }
0x84: {  	_ =	shalt  }
0x85: {  	_ =	shalt  }
0x86: {  	_ =	shalt  }
0x87: {  	_ =	shalt  }
.Lfunc_end0:
.L_simem_size_0:
called_computation_lowered:
.L_overlay_start_0:
0x88: {  	s2 =	sld [smem:$0x3FD9]  }
0x89: {  	s3 =	sld [smem:$0x3FFE];
	_ =	sdelay $0x1  }
0x8a: {  	s1 =	srdreg.scid  }
0x8b: {  	s0 =	sand.u32 $0x1, s1  }
0x8c: {  	s17 =	sshll.u32 s0, $0xA;
	s2 =	sadd.s32 s3, s2  }
0x8d: {  	s2 =	sadd.s32 s2, s17  }
0x8e: {  	[smem:$0x3FC4] =	sst s2  }
0x8f: {  	_ = 	snop  }
0x90: {  	s2 =	sld [smem:$0x3FD0];
	(tm) =	ssettm $0x1  }
0x91: {  	s18 =	sld [smem:$0x3FFB];
	_ =	sdelay $0x3  }
0x92: {  	_ =	strace s18  }
0x93: {  	s3 =	sld [smem:$0x3FFC];
	_ =	sdelay $0x3  }
0x94: {  	_ =	strace s3  }
0x95: {  	s3 =	sld [smem:$0x3FFD];
	_ =	sdelay $0x3  }
0x96: {  	_ =	strace s3  }
0x97: {  	_ =	strace $0x8FFFFFFF  }
0x98: {  	s19 =	sld [smem:$0x3FDB];
	_ =	sdelay $0x1  }
0x99: {  	s4 =	simm.s32 $_scs_section_size  }
0x9a: {  	s5 =	simm.s32 $_size__tile_overlayer_lowered;
	s6 =	simm.s32 $_tile_overlayer_lowered  }
0x9b: {  	s22 =	simm.s32 $0x1BFF;
	s21 =	sshll.u32 s6, $0x1;
	s3 =	sadd.s32 s4, s19  }
0x9c: {  	s7 =	simm.s32 $0x0;
	s20 =	sshll.u32 s5, $0x1;
	s5 =	sadd.s32 s21, s3  }
0x9d: {  	[timem:s7], [sflag:s22] =	dma.local [hbm:s5], s20  }
0x9e: {  	_ =	swait.ge [sflag:s22], s20  }
0x9f: {  	s4 =	ssub.s32 $0x0, s20;
	[sflag:s22] =	ssyncset.done $0x0  }
0xa0: {  	[sflag:s22] =	ssyncadd.s32 s4;
	_ =	sdelay $0x1  }
0xa1: {  	s23 =	simm.s32 $0x1B8B  }
0xa2: {  	_ =	swait.ge [sflag:s23], $0x1  }
0xa3: {  	[sflag:s23] =	ssyncset.done $0x0  }
0xa4: {  	s25 =	simm.s32 $0x1B8E;
	s24 =	sld [smem:$0x3FFE];
	[sflag:s23] =	ssyncadd.s32 $0xFFFFFFFF  }
0xa5: {  	s26 =	simm.s32 $execute0_lowered;
	[smem:$0x3FD2] =	sst s25  }
0xa6: {  	s5 =	sshll.u32 s26, $0x1;
	_ =	strace $0x80000046;
	[dreg:$0x1] =	wrdreg $0xFFFFFFFF  }
0xa7: {  	s28 =	simm.s32 $_size_execute0_lowered;
	s3 =	sadd.s32 s3, s5;
	[dreg:$0x0] =	wrdreg $0x0  }
0xa8: {  	s5 =	sshll.u32 s28, $0x1;
	[dreg:$0x2] =	wrdreg s3  }
0xa9: {  	[dreg:$0x3] =	wrdreg s5  }
0xaa: {  	[dreg:$0x4] =	wrdreg $0xC0  }
0xab: {  	_ =	task [dreg:s7], $0x5FFFF  }
0xac: {  	[dreg:$0x1] =	wrdreg $0xFFFFFFFF  }
0xad: {  	[dreg:$0x0] =	wrdreg $0x60  }
0xae: {  	[dreg:$0x2] =	wrdreg s24  }
0xaf: {  	[dreg:$0x3] =	wrdreg s2  }
0xb0: {  	[dreg:$0x4] =	wrdreg $0xB000  }
0xb1: {  	[dreg:$0x5] =	wrdreg $0x9  }
0xb2: {  	_ =	task.clear_ibuf [dreg:s7], $0x6FFFF;
	_ =	strace $0x90000046  }
0xb3: {  	s29 =	simm.s32 $0x9;
	_ =	strace $0x80000048  }
0xb4: {  	_ =	swait.ge [sflag:s29], $0x1  }
0xb5: {  	[sflag:s29] =	ssyncadd.s32 $0xFFFFFFFF  }
0xb6: {  	_ =	strace $0x90000048  }
0xb7: {  	_ =	sfence  }
0xb8: {  	s30 =	sld [smem:$0x0];
	_ =	sdelay $0x2  }
0xb9: {  	s31 =	sshll.u32 s1, $0xD;
	s1 =	sshrl.u32 s1, $0x2  }
0xba: {  	s3 =	sand.u32 $0x4000, s31;
	s1 =	sadd.s32 s1, s30  }
0xbb: {  	s0 =	sor.u32 s3, s0;
	s1 =	sshll.u32 s1, $0x11  }
0xbc: {  	s0 =	sor.u32 s1, s0  }
0xbd: {  	s0 =	sadd.s32 $0x8F2B, s0  }
0xbe: {  	[sflag:s0] =	ssyncadd.remote.s32 $0x1  }
0xbf: {  	_ =	sfence.sel $0xFFFF  }
0xc0: {  	[dreg:$0x0] =	wrdreg $0xFFFFFFFF;
	(pc) =	sbr.abs _section_cstart, $3  }
0xc1: {  	[dreg:$0x1] =	wrdreg $0xFFFFFFFF  }
0xc2: {  	_ =	task.clear_ibuf [dreg:s7], $0x2FFFF;
	_ =	strace $0x9FFFFFFF  }
0xc3: {  	(tm) =	ssettm $0x7FFFFFFF  }
tec
execute0_lowered:
.L_overlay_start_1:
0x0: {  	(tag) =	ssettag $0x1  }
0x1: {  	s0 =	rddreg [dreg:$0x0]  }
0x2: {  	s1 =	srdreg.scid;
	s5 =	rddreg [dreg:$0x1]  }
0x3: {  	s8 =	stileid.u32;
	s2 =	rddreg [dreg:$0x2];
	s3 =	simm.s32 $0x0  }
0x4: {  	s9 =	simm.s32 $0x2;
	s10 =	simm.s32 $0x1;
	s11 =	simm.s32 $0x7D  }
0x5: {  	s12 =	simm.s32 $0x800;
	s13 =	simm.s32 $0x80;
	s14 =	simm.s32 $0x100  }
0x6: {  	s15 =	simm.s32 $0x180;
	s16 =	simm.s32 $0x200;
	s17 =	simm.s32 $0x280  }
0x7: {  	s18 =	simm.s32 $0x300;
	s19 =	simm.s32 $0x380;
	s20 =	simm.s32 $0x400  }
0x8: {  	s21 =	simm.s32 $0x480;
	s22 =	simm.s32 $0x500;
	s4 =	smul.u32 $0x5000, s8  }
0x9: {  	s23 =	simm.s32 $0x580;
	s28 =	simm.s32 $0x780;
	s24 =	smul.u32 $0x500, s8  }
0xa: {  	s30 =	simm.s32 $0x10;
	s1 =	sand.u32 $0x1, s1;
	s8 =	smul.u32 $0xA00, s8  }
0xb: {  	s31 =	simm.s32 $0x0;
	[smem:$0x7FF] =	sst s3;
	s6 =	smul.u32 $0x2800, s1  }
0xc: {  	_ =	strace $0x80000047;
	s7 =	ssub.s32 $0x2, s1;
	s1 =	sshll.u32 s1, $0x7  }
0xd: {  	s25 =	sshrl.u32 s7, $0x1;
	s1 =	sor.u32 s1, s24;
	s29 =	sshrl.u32 s8, $0x2  }
0xe: {  	s24 =	simm.s32 $0x600;
	s4 =	sadd.s32 s6, s4;
	s26 =	ssub.s32 s7, s25  }
0xf: {  	s1 =	sshrl.u32 s1, $0x3;
	s25 =	simm.s32 $0x680;
	s4 =	sshrl.u32 s4, $0x3  }
0x10: {  	s5 =	sadd.s32 s5, s1;
	s6 =	smax.u32 s26, $0x1;
	s0 =	sadd.s32 s4, s0  }
0x11: {  	v0 =	vimm.f32 $0.0e+00;
	v1 =	vimm.f32 $1.000000000e+00;
	s26 =	simm.s32 $0x700;
	s4 =	sadd.s32 s29, s2;
	s7 =	sadd.s32 $0x1000, s0  }
.LBB2_1:
0x12: {  	[tilespmem:$0x880] =	vst v0  }
0x13: {  	[tilespmem:$0x890] =	vst v0  }
0x14: {  	[tilespmem:$0x8A0] =	vst v0  }
0x15: {  	[tilespmem:$0x8B0] =	vst v0  }
0x16: {  	[tilespmem:$0x8C0] =	vst v0  }
0x17: {  	[tilespmem:$0x8D0] =	vst v0  }
0x18: {  	[tilespmem:$0x8E0] =	vst v0  }
0x19: {  	[tilespmem:$0x8F0] =	vst v0  }
0x1a: {  	[tilespmem:$0x900] =	vst v0  }
0x1b: {  	[tilespmem:$0x910] =	vst v0  }
0x1c: {  	[tilespmem:$0x920] =	vst v0  }
0x1d: {  	[tilespmem:$0x930] =	vst v0  }
0x1e: {  	[tilespmem:$0x940] =	vst v0  }
0x1f: {  	[tilespmem:$0x950] =	vst v0  }
0x20: {  	[tilespmem:$0x960] =	vst v0  }
0x21: {  	[tilespmem:$0x970] =	vst v0  }
0x22: {  	[tilespmem:$0x980] =	vst v0  }
0x23: {  	[tilespmem:$0x990] =	vst v0  }
0x24: {  	[tilespmem:$0x9A0] =	vst v0  }
0x25: {  	[tilespmem:$0x9B0] =	vst v0  }
0x26: {  	[tilespmem:$0x9C0] =	vst v0  }
0x27: {  	[tilespmem:$0x9D0] =	vst v0  }
0x28: {  	[tilespmem:$0x9E0] =	vst v0  }
0x29: {  	[tilespmem:$0x9F0] =	vst v0  }
0x2a: {  	[tilespmem:$0xA00] =	vst v0  }
0x2b: {  	[tilespmem:$0xA10] =	vst v0  }
0x2c: {  	[tilespmem:$0xA20] =	vst v0  }
0x2d: {  	[tilespmem:$0xA30] =	vst v0  }
0x2e: {  	[tilespmem:$0xA40] =	vst v0  }
0x2f: {  	[tilespmem:$0xA50] =	vst v0  }
0x30: {  	[tilespmem:$0xA60] =	vst v0  }
0x31: {  	[tilespmem:$0xA70] =	vst v0  }
0x32: {  	[tilespmem:$0xA80] =	vst v0  }
0x33: {  	[tilespmem:$0xA90] =	vst v0  }
0x34: {  	[tilespmem:$0xAA0] =	vst v0  }
0x35: {  	[tilespmem:$0xAB0] =	vst v0  }
0x36: {  	[tilespmem:$0xAC0] =	vst v0  }
0x37: {  	[tilespmem:$0xAD0] =	vst v0  }
0x38: {  	[tilespmem:$0xAE0] =	vst v0  }
0x39: {  	[tilespmem:$0xAF0] =	vst v0  }
0x3a: {  	[tilespmem:$0x800] =	vst v1  }
0x3b: {  	[tilespmem:$0x810] =	vst v1  }
0x3c: {  	[tilespmem:$0x820] =	vst v1  }
0x3d: {  	[tilespmem:$0x830] =	vst v1  }
0x3e: {  	[tilespmem:$0x840] =	vst v1  }
0x3f: {  	[tilespmem:$0x850] =	vst v1  }
0x40: {  	[tilespmem:$0x860] =	vst v1  }
0x41: {  	[tilespmem:$0x870] =	vst v1;
	s0 =	simm.s32 $0x880  }
0x42: {  	[spmem:s4] =	stream.linear.scatter [tilespmem:s0], [sflag:$0x2], $0x280, $0x38;
	[tilespmem:$0xD80] =	vst v63  }
0x43: {  	_ =	swait.ge [sflag:s9], $0x280  }
0x44: {  	[sflag:s9] =	ssyncset.done $0x0  }
0x45: {  	[sflag:s9] =	ssyncadd.s32 $0xFFFFFD80  }
0x46: {  	s29 =	sadd.s32 $0x0, s7;
	[bflag:$0x0] =	sbarrier.arrive $0xFFFF  }
0x47: {  	[tilespmem:s3], [sflag:$0x1] =	stream.linear.gather [hbm4b:s29+s3], $0x800, $0x38;
	[tilespmem:$0xD80] =	vst v63  }
0x48: {  	_ =	swait.ge [sflag:s10], $0x800  }
0x49: {  	[sflag:s10] =	ssyncset.done $0x0  }
0x4a: {  	[sflag:s10] =	ssyncadd.s32 $0xFFFFF800  }
0x4b: {  	[spmem:s2] =	stream.indirect.scatter.add.f32 [tilespmem:s12], [sflag:$0x2], $0x1, s3, s11, $0xb8;
	[tilespmem:$0xD80] =	vst v63  }
0x4c: {  	_ =	swait.ge [sflag:s9], $0x7D  }
0x4d: {  	[sflag:s9] =	ssyncset.done $0x0  }
0x4e: {  	[sflag:s9] =	ssyncadd.s32 $0xFFFFFF83  }
0x4f: {  	[spmem:s2] =	stream.indirect.scatter.add.f32 [tilespmem:s12], [sflag:$0x2], $0x1, s13, s11, $0xb8;
	[tilespmem:$0xD80] =	vst v63  }
0x50: {  	_ =	swait.ge [sflag:s9], $0x7D  }
0x51: {  	[sflag:s9] =	ssyncset.done $0x0  }
0x52: {  	[sflag:s9] =	ssyncadd.s32 $0xFFFFFF83  }
0x53: {  	[spmem:s2] =	stream.indirect.scatter.add.f32 [tilespmem:s12], [sflag:$0x2], $0x1, s14, s11, $0xb8;
	[tilespmem:$0xD80] =	vst v63  }
0x54: {  	_ =	swait.ge [sflag:s9], $0x7D  }
0x55: {  	[sflag:s9] =	ssyncset.done $0x0  }
0x56: {  	[sflag:s9] =	ssyncadd.s32 $0xFFFFFF83  }
0x57: {  	[spmem:s2] =	stream.indirect.scatter.add.f32 [tilespmem:s12], [sflag:$0x2], $0x1, s15, s11, $0xb8;
	[tilespmem:$0xD80] =	vst v63  }
0x58: {  	_ =	swait.ge [sflag:s9], $0x7D  }
0x59: {  	[sflag:s9] =	ssyncset.done $0x0  }
0x5a: {  	[sflag:s9] =	ssyncadd.s32 $0xFFFFFF83  }
0x5b: {  	[spmem:s2] =	stream.indirect.scatter.add.f32 [tilespmem:s12], [sflag:$0x2], $0x1, s16, s11, $0xb8;
	[tilespmem:$0xD80] =	vst v63  }
0x5c: {  	_ =	swait.ge [sflag:s9], $0x7D  }
0x5d: {  	[sflag:s9] =	ssyncset.done $0x0  }
0x5e: {  	[sflag:s9] =	ssyncadd.s32 $0xFFFFFF83  }
0x5f: {  	[spmem:s2] =	stream.indirect.scatter.add.f32 [tilespmem:s12], [sflag:$0x2], $0x1, s17, s11, $0xb8;
	[tilespmem:$0xD80] =	vst v63  }
0x60: {  	_ =	swait.ge [sflag:s9], $0x7D  }
0x61: {  	[sflag:s9] =	ssyncset.done $0x0  }
0x62: {  	[sflag:s9] =	ssyncadd.s32 $0xFFFFFF83  }
0x63: {  	[spmem:s2] =	stream.indirect.scatter.add.f32 [tilespmem:s12], [sflag:$0x2], $0x1, s18, s11, $0xb8;
	[tilespmem:$0xD80] =	vst v63  }
0x64: {  	_ =	swait.ge [sflag:s9], $0x7D  }
0x65: {  	[sflag:s9] =	ssyncset.done $0x0  }
0x66: {  	[sflag:s9] =	ssyncadd.s32 $0xFFFFFF83  }
0x67: {  	[spmem:s2] =	stream.indirect.scatter.add.f32 [tilespmem:s12], [sflag:$0x2], $0x1, s19, s11, $0xb8;
	[tilespmem:$0xD80] =	vst v63  }
0x68: {  	_ =	swait.ge [sflag:s9], $0x7D  }
0x69: {  	[sflag:s9] =	ssyncset.done $0x0  }
0x6a: {  	[sflag:s9] =	ssyncadd.s32 $0xFFFFFF83  }
0x6b: {  	[spmem:s2] =	stream.indirect.scatter.add.f32 [tilespmem:s12], [sflag:$0x2], $0x1, s20, s11, $0xb8;
	[tilespmem:$0xD80] =	vst v63  }
0x6c: {  	_ =	swait.ge [sflag:s9], $0x7D  }
0x6d: {  	[sflag:s9] =	ssyncset.done $0x0  }
0x6e: {  	[sflag:s9] =	ssyncadd.s32 $0xFFFFFF83  }
0x6f: {  	[spmem:s2] =	stream.indirect.scatter.add.f32 [tilespmem:s12], [sflag:$0x2], $0x1, s21, s11, $0xb8;
	[tilespmem:$0xD80] =	vst v63  }
0x70: {  	_ =	swait.ge [sflag:s9], $0x7D  }
0x71: {  	[sflag:s9] =	ssyncset.done $0x0  }
0x72: {  	[sflag:s9] =	ssyncadd.s32 $0xFFFFFF83  }
0x73: {  	[spmem:s2] =	stream.indirect.scatter.add.f32 [tilespmem:s12], [sflag:$0x2], $0x1, s22, s11, $0xb8;
	[tilespmem:$0xD80] =	vst v63  }
0x74: {  	_ =	swait.ge [sflag:s9], $0x7D  }
0x75: {  	[sflag:s9] =	ssyncset.done $0x0  }
0x76: {  	[sflag:s9] =	ssyncadd.s32 $0xFFFFFF83  }
0x77: {  	[spmem:s2] =	stream.indirect.scatter.add.f32 [tilespmem:s12], [sflag:$0x2], $0x1, s23, s11, $0xb8;
	[tilespmem:$0xD80] =	vst v63  }
0x78: {  	_ =	swait.ge [sflag:s9], $0x7D  }
0x79: {  	[sflag:s9] =	ssyncset.done $0x0  }
0x7a: {  	[sflag:s9] =	ssyncadd.s32 $0xFFFFFF83  }
0x7b: {  	[spmem:s2] =	stream.indirect.scatter.add.f32 [tilespmem:s12], [sflag:$0x2], $0x1, s24, s11, $0xb8;
	[tilespmem:$0xD80] =	vst v63  }
0x7c: {  	_ =	swait.ge [sflag:s9], $0x7D  }
0x7d: {  	[sflag:s9] =	ssyncset.done $0x0  }
0x7e: {  	[sflag:s9] =	ssyncadd.s32 $0xFFFFFF83  }
0x7f: {  	[spmem:s2] =	stream.indirect.scatter.add.f32 [tilespmem:s12], [sflag:$0x2], $0x1, s25, s11, $0xb8;
	[tilespmem:$0xD80] =	vst v63  }
0x80: {  	_ =	swait.ge [sflag:s9], $0x7D  }
0x81: {  	[sflag:s9] =	ssyncset.done $0x0  }
0x82: {  	[sflag:s9] =	ssyncadd.s32 $0xFFFFFF83  }
0x83: {  	[spmem:s2] =	stream.indirect.scatter.add.f32 [tilespmem:s12], [sflag:$0x2], $0x1, s26, s11, $0xb8;
	[tilespmem:$0xD80] =	vst v63  }
0x84: {  	_ =	swait.ge [sflag:s9], $0x7D  }
0x85: {  	[sflag:s9] =	ssyncset.done $0x0  }
0x86: {  	[sflag:s9] =	ssyncadd.s32 $0xFFFFFF83  }
0x87: {  	[spmem:s2] =	stream.indirect.scatter.add.f32 [tilespmem:s12], [sflag:$0x2], $0x1, s28, s11, $0xb8;
	[tilespmem:$0xD80] =	vst v63  }
0x88: {  	_ =	swait.ge [sflag:s9], $0x7D  }
0x89: {  	s1 =	simm.s32 $0x100;
	s8 =	simm.s32 $0x200;
	[sflag:s9] =	ssyncset.done $0x0  }
.LBB2_2:
0x8a: {  	s29 =	sadd.s32 s1, s7  }
0x8b: {  	[sflag:s9] =	ssyncadd.s32 $0xFFFFFF83;
	s1 =	smov.u32 s8;
	s0 =	sadd.s32 $0x100, s8  }
0x8c: {  	[tilespmem:s3], [sflag:$0x1] =	stream.linear.gather [hbm4b:s29+s3], $0x800, $0x38;
	[tilespmem:$0xD80] =	vst v63  }
0x8d: {  	p0 =	sne.s32 s8, $0x400;
	_ =	swait.ge [sflag:s10], $0x800  }
0x8e: {  	[sflag:s10] =	ssyncset.done $0x0  }
0x8f: {  	[sflag:s10] =	ssyncadd.s32 $0xFFFFF800  }
0x90: {  	[spmem:s2] =	stream.indirect.scatter.add.f32 [tilespmem:s12], [sflag:$0x2], $0x1, s3, s11, $0xb8;
	[tilespmem:$0xD80] =	vst v63  }
0x91: {  	_ =	swait.ge [sflag:s9], $0x7D  }
0x92: {  	[sflag:s9] =	ssyncset.done $0x0  }
0x93: {  	[sflag:s9] =	ssyncadd.s32 $0xFFFFFF83  }
0x94: {  	[spmem:s2] =	stream.indirect.scatter.add.f32 [tilespmem:s12], [sflag:$0x2], $0x1, s13, s11, $0xb8;
	[tilespmem:$0xD80] =	vst v63  }
0x95: {  	_ =	swait.ge [sflag:s9], $0x7D  }
0x96: {  	[sflag:s9] =	ssyncset.done $0x0  }
0x97: {  	[sflag:s9] =	ssyncadd.s32 $0xFFFFFF83  }
0x98: {  	[spmem:s2] =	stream.indirect.scatter.add.f32 [tilespmem:s12], [sflag:$0x2], $0x1, s14, s11, $0xb8;
	[tilespmem:$0xD80] =	vst v63  }
0x99: {  	_ =	swait.ge [sflag:s9], $0x7D  }
0x9a: {  	[sflag:s9] =	ssyncset.done $0x0  }
0x9b: {  	[sflag:s9] =	ssyncadd.s32 $0xFFFFFF83  }
0x9c: {  	[spmem:s2] =	stream.indirect.scatter.add.f32 [tilespmem:s12], [sflag:$0x2], $0x1, s15, s11, $0xb8;
	[tilespmem:$0xD80] =	vst v63  }
0x9d: {  	_ =	swait.ge [sflag:s9], $0x7D  }
0x9e: {  	[sflag:s9] =	ssyncset.done $0x0  }
0x9f: {  	[sflag:s9] =	ssyncadd.s32 $0xFFFFFF83  }
0xa0: {  	[spmem:s2] =	stream.indirect.scatter.add.f32 [tilespmem:s12], [sflag:$0x2], $0x1, s16, s11, $0xb8;
	[tilespmem:$0xD80] =	vst v63  }
0xa1: {  	_ =	swait.ge [sflag:s9], $0x7D  }
0xa2: {  	[sflag:s9] =	ssyncset.done $0x0  }
0xa3: {  	[sflag:s9] =	ssyncadd.s32 $0xFFFFFF83  }
0xa4: {  	[spmem:s2] =	stream.indirect.scatter.add.f32 [tilespmem:s12], [sflag:$0x2], $0x1, s17, s11, $0xb8;
	[tilespmem:$0xD80] =	vst v63  }
0xa5: {  	_ =	swait.ge [sflag:s9], $0x7D  }
0xa6: {  	[sflag:s9] =	ssyncset.done $0x0  }
0xa7: {  	[sflag:s9] =	ssyncadd.s32 $0xFFFFFF83  }
0xa8: {  	[spmem:s2] =	stream.indirect.scatter.add.f32 [tilespmem:s12], [sflag:$0x2], $0x1, s18, s11, $0xb8;
	[tilespmem:$0xD80] =	vst v63  }
0xa9: {  	_ =	swait.ge [sflag:s9], $0x7D  }
0xaa: {  	[sflag:s9] =	ssyncset.done $0x0  }
0xab: {  	[sflag:s9] =	ssyncadd.s32 $0xFFFFFF83  }
0xac: {  	[spmem:s2] =	stream.indirect.scatter.add.f32 [tilespmem:s12], [sflag:$0x2], $0x1, s19, s11, $0xb8;
	[tilespmem:$0xD80] =	vst v63  }
0xad: {  	_ =	swait.ge [sflag:s9], $0x7D  }
0xae: {  	[sflag:s9] =	ssyncset.done $0x0  }
0xaf: {  	[sflag:s9] =	ssyncadd.s32 $0xFFFFFF83  }
0xb0: {  	[spmem:s2] =	stream.indirect.scatter.add.f32 [tilespmem:s12], [sflag:$0x2], $0x1, s20, s11, $0xb8;
	[tilespmem:$0xD80] =	vst v63  }
0xb1: {  	_ =	swait.ge [sflag:s9], $0x7D  }
0xb2: {  	[sflag:s9] =	ssyncset.done $0x0  }
0xb3: {  	[sflag:s9] =	ssyncadd.s32 $0xFFFFFF83  }
0xb4: {  	[spmem:s2] =	stream.indirect.scatter.add.f32 [tilespmem:s12], [sflag:$0x2], $0x1, s21, s11, $0xb8;
	[tilespmem:$0xD80] =	vst v63  }
0xb5: {  	_ =	swait.ge [sflag:s9], $0x7D  }
0xb6: {  	[sflag:s9] =	ssyncset.done $0x0  }
0xb7: {  	[sflag:s9] =	ssyncadd.s32 $0xFFFFFF83  }
0xb8: {  	[spmem:s2] =	stream.indirect.scatter.add.f32 [tilespmem:s12], [sflag:$0x2], $0x1, s22, s11, $0xb8;
	[tilespmem:$0xD80] =	vst v63  }
0xb9: {  	_ =	swait.ge [sflag:s9], $0x7D  }
0xba: {  	[sflag:s9] =	ssyncset.done $0x0  }
0xbb: {  	[sflag:s9] =	ssyncadd.s32 $0xFFFFFF83  }
0xbc: {  	[spmem:s2] =	stream.indirect.scatter.add.f32 [tilespmem:s12], [sflag:$0x2], $0x1, s23, s11, $0xb8;
	[tilespmem:$0xD80] =	vst v63  }
0xbd: {  	_ =	swait.ge [sflag:s9], $0x7D  }
0xbe: {  	[sflag:s9] =	ssyncset.done $0x0  }
0xbf: {  	[sflag:s9] =	ssyncadd.s32 $0xFFFFFF83  }
0xc0: {  	[spmem:s2] =	stream.indirect.scatter.add.f32 [tilespmem:s12], [sflag:$0x2], $0x1, s24, s11, $0xb8;
	[tilespmem:$0xD80] =	vst v63  }
0xc1: {  	_ =	swait.ge [sflag:s9], $0x7D  }
0xc2: {  	[sflag:s9] =	ssyncset.done $0x0  }
0xc3: {  	[sflag:s9] =	ssyncadd.s32 $0xFFFFFF83  }
0xc4: {  	[spmem:s2] =	stream.indirect.scatter.add.f32 [tilespmem:s12], [sflag:$0x2], $0x1, s25, s11, $0xb8;
	[tilespmem:$0xD80] =	vst v63  }
0xc5: {  	_ =	swait.ge [sflag:s9], $0x7D  }
0xc6: {  	[sflag:s9] =	ssyncset.done $0x0  }
0xc7: {  	[sflag:s9] =	ssyncadd.s32 $0xFFFFFF83  }
0xc8: {  	[spmem:s2] =	stream.indirect.scatter.add.f32 [tilespmem:s12], [sflag:$0x2], $0x1, s26, s11, $0xb8;
	[tilespmem:$0xD80] =	vst v63  }
0xc9: {  	_ =	swait.ge [sflag:s9], $0x7D  }
.Ltmp0:
0xca: {  	[sflag:s9] =	ssyncset.done $0x0;
	(pc) =	sbr.rel @p0 .LBB2_2-.Ltmp0, $4  }
0xcb: {  	[sflag:s9] =	ssyncadd.s32 $0xFFFFFF83  }
0xcc: {  	[spmem:s2] =	stream.indirect.scatter.add.f32 [tilespmem:s12], [sflag:$0x2], $0x1, s28, s11, $0xb8;
	[tilespmem:$0xD80] =	vst v63  }
0xcd: {  	_ =	swait.ge [sflag:s9], $0x7D  }
0xce: {  	s8 =	smov.u32 s0;
	[sflag:s9] =	ssyncset.done $0x0  }
0xcf: {  	s0 =	sadd.s32 s1, s7;
	[sflag:s9] =	ssyncadd.s32 $0xFFFFFF83  }
0xd0: {  	[tilespmem:s3], [sflag:$0x1] =	stream.linear.gather [hbm4b:s0+s3], $0x800, $0x38;
	[tilespmem:$0xD80] =	vst v63  }
0xd1: {  	_ =	swait.ge [sflag:s10], $0x800  }
0xd2: {  	[sflag:s10] =	ssyncset.done $0x0  }
0xd3: {  	[sflag:s10] =	ssyncadd.s32 $0xFFFFF800  }
0xd4: {  	[spmem:s2] =	stream.indirect.scatter.add.f32 [tilespmem:s12], [sflag:$0x2], $0x1, s3, s11, $0xb8;
	[tilespmem:$0xD80] =	vst v63  }
0xd5: {  	_ =	swait.ge [sflag:s9], $0x7D  }
0xd6: {  	[sflag:s9] =	ssyncset.done $0x0  }
0xd7: {  	[sflag:s9] =	ssyncadd.s32 $0xFFFFFF83  }
0xd8: {  	[spmem:s2] =	stream.indirect.scatter.add.f32 [tilespmem:s12], [sflag:$0x2], $0x1, s13, s11, $0xb8;
	[tilespmem:$0xD80] =	vst v63  }
0xd9: {  	_ =	swait.ge [sflag:s9], $0x7D  }
0xda: {  	[sflag:s9] =	ssyncset.done $0x0  }
0xdb: {  	[sflag:s9] =	ssyncadd.s32 $0xFFFFFF83  }
0xdc: {  	[spmem:s2] =	stream.indirect.scatter.add.f32 [tilespmem:s12], [sflag:$0x2], $0x1, s14, s11, $0xb8;
	[tilespmem:$0xD80] =	vst v63  }
0xdd: {  	_ =	swait.ge [sflag:s9], $0x7D  }
0xde: {  	[sflag:s9] =	ssyncset.done $0x0  }
0xdf: {  	[sflag:s9] =	ssyncadd.s32 $0xFFFFFF83  }
0xe0: {  	[spmem:s2] =	stream.indirect.scatter.add.f32 [tilespmem:s12], [sflag:$0x2], $0x1, s15, s11, $0xb8;
	[tilespmem:$0xD80] =	vst v63  }
0xe1: {  	_ =	swait.ge [sflag:s9], $0x7D  }
0xe2: {  	[sflag:s9] =	ssyncset.done $0x0  }
0xe3: {  	[sflag:s9] =	ssyncadd.s32 $0xFFFFFF83  }
0xe4: {  	[spmem:s2] =	stream.indirect.scatter.add.f32 [tilespmem:s12], [sflag:$0x2], $0x1, s16, s11, $0xb8;
	[tilespmem:$0xD80] =	vst v63  }
0xe5: {  	_ =	swait.ge [sflag:s9], $0x7D  }
0xe6: {  	[sflag:s9] =	ssyncset.done $0x0  }
0xe7: {  	[sflag:s9] =	ssyncadd.s32 $0xFFFFFF83  }
0xe8: {  	[spmem:s2] =	stream.indirect.scatter.add.f32 [tilespmem:s12], [sflag:$0x2], $0x1, s17, s11, $0xb8;
	[tilespmem:$0xD80] =	vst v63  }
0xe9: {  	_ =	swait.ge [sflag:s9], $0x7D  }
0xea: {  	[sflag:s9] =	ssyncset.done $0x0  }
0xeb: {  	[sflag:s9] =	ssyncadd.s32 $0xFFFFFF83  }
0xec: {  	[spmem:s2] =	stream.indirect.scatter.add.f32 [tilespmem:s12], [sflag:$0x2], $0x1, s18, s11, $0xb8;
	[tilespmem:$0xD80] =	vst v63  }
0xed: {  	_ =	swait.ge [sflag:s9], $0x7D  }
0xee: {  	[sflag:s9] =	ssyncset.done $0x0  }
0xef: {  	[sflag:s9] =	ssyncadd.s32 $0xFFFFFF83  }
0xf0: {  	[spmem:s2] =	stream.indirect.scatter.add.f32 [tilespmem:s12], [sflag:$0x2], $0x1, s19, s11, $0xb8;
	[tilespmem:$0xD80] =	vst v63  }
0xf1: {  	_ =	swait.ge [sflag:s9], $0x7D  }
0xf2: {  	[sflag:s9] =	ssyncset.done $0x0  }
0xf3: {  	[sflag:s9] =	ssyncadd.s32 $0xFFFFFF83  }
0xf4: {  	[spmem:s2] =	stream.indirect.scatter.add.f32 [tilespmem:s12], [sflag:$0x2], $0x1, s20, s11, $0xb8;
	[tilespmem:$0xD80] =	vst v63  }
0xf5: {  	_ =	swait.ge [sflag:s9], $0x7D  }
0xf6: {  	[sflag:s9] =	ssyncset.done $0x0  }
0xf7: {  	[sflag:s9] =	ssyncadd.s32 $0xFFFFFF83  }
0xf8: {  	[spmem:s2] =	stream.indirect.scatter.add.f32 [tilespmem:s12], [sflag:$0x2], $0x1, s21, s11, $0xb8;
	[tilespmem:$0xD80] =	vst v63  }
0xf9: {  	_ =	swait.ge [sflag:s9], $0x7D  }
0xfa: {  	[sflag:s9] =	ssyncset.done $0x0  }
0xfb: {  	[sflag:s9] =	ssyncadd.s32 $0xFFFFFF83  }
0xfc: {  	[spmem:s2] =	stream.indirect.scatter.add.f32 [tilespmem:s12], [sflag:$0x2], $0x1, s22, s11, $0xb8;
	[tilespmem:$0xD80] =	vst v63  }
0xfd: {  	_ =	swait.ge [sflag:s9], $0x7D  }
0xfe: {  	[sflag:s9] =	ssyncset.done $0x0  }
0xff: {  	[sflag:s9] =	ssyncadd.s32 $0xFFFFFF83  }
0x100: {  	[spmem:s2] =	stream.indirect.scatter.add.f32 [tilespmem:s12], [sflag:$0x2], $0x1, s23, s11, $0xb8;
	[tilespmem:$0xD80] =	vst v63  }
0x101: {  	_ =	swait.ge [sflag:s9], $0x7D  }
0x102: {  	[sflag:s9] =	ssyncset.done $0x0  }
0x103: {  	[sflag:s9] =	ssyncadd.s32 $0xFFFFFF83  }
0x104: {  	[spmem:s2] =	stream.indirect.scatter.add.f32 [tilespmem:s12], [sflag:$0x2], $0x1, s24, s11, $0xb8;
	[tilespmem:$0xD80] =	vst v63  }
0x105: {  	_ =	swait.ge [sflag:s9], $0x7D  }
0x106: {  	[sflag:s9] =	ssyncset.done $0x0  }
0x107: {  	[sflag:s9] =	ssyncadd.s32 $0xFFFFFF83  }
0x108: {  	[spmem:s2] =	stream.indirect.scatter.add.f32 [tilespmem:s12], [sflag:$0x2], $0x1, s25, s11, $0xb8;
	[tilespmem:$0xD80] =	vst v63  }
0x109: {  	_ =	swait.ge [sflag:s9], $0x7D  }
0x10a: {  	[sflag:s9] =	ssyncset.done $0x0  }
0x10b: {  	[sflag:s9] =	ssyncadd.s32 $0xFFFFFF83  }
0x10c: {  	[spmem:s2] =	stream.indirect.scatter.add.f32 [tilespmem:s12], [sflag:$0x2], $0x1, s26, s11, $0xb8;
	[tilespmem:$0xD80] =	vst v63  }
0x10d: {  	_ =	swait.ge [sflag:s9], $0x7D  }
0x10e: {  	[sflag:s9] =	ssyncset.done $0x0  }
0x10f: {  	[sflag:s9] =	ssyncadd.s32 $0xFFFFFF83  }
0x110: {  	[spmem:s2] =	stream.indirect.scatter.add.f32 [tilespmem:s12], [sflag:$0x2], $0x1, s28, s11, $0xb8;
	[tilespmem:$0xD80] =	vst v63  }
0x111: {  	s8 =	stileid.u32;
	s29 =	sshrl.u32 s4, $0x3;
	_ =	swait.ge [sflag:s9], $0x7D  }
0x112: {  	s31 =	sadd.s32 $0x1, s31;
	s0 =	sshll.u32 s8, $0x6;
	[sflag:s9] =	ssyncset.done $0x0  }
0x113: {  	s8 =	simm.s32 $0x20;
	p0 =	sne.s32 s31, s6;
	[sflag:s9] =	ssyncadd.s32 $0xFFFFFF83  }
.Ltmp1:
0x114: {  	s0 =	sor.u32 $0x1C02, s0;
	[bflag:$0x0] =	sbarrier.arrive $0xFFFF;
	(pc) =	sbr.rel @p0 .LBB2_1-.Ltmp1, $4  }
0x115: {  	[hbm:s5@s8], [sflag:s0] =	dma.strided [spmem:s29@s30], $0x50, s10, $0x10   }
0x116: {  	_ =	swait.ge [sflag:s9], $0x50  }
0x117: {  	[sflag:s9] =	ssyncset.done $0x0  }
0x118: {  	[sflag:s9] =	ssyncadd.s32 $0xFFFFFFB0  }
0x119: {  	_ =	sfence.sel $0x180000  }
0x11a: {  	[bflag:$0x0] =	sbarrier.arrive $0xFFFF  }
0x11b: {  	_ =	strace $0x90000047  }
0x11c: {  	s0 =	stileid.u32;
	[bflag:$0x2] =	sbarrier.arrive $0xFFFF  }
0x11d: {  	p0 =	sne.s32 s0, $0x0;
	s0 =	rddreg [dreg:$0x3]  }
0x11e: {  	s0 =	sadd.s32 @!p0 $0x100000, s0  }
0x11f: {  	[sflag:s0] =	ssyncadd.tile.s32 @!p0 $0x1;
	_ =	shalt  }
.Lfunc_end2:
_tile_overlayer_lowered:
.L_overlay_start_2:
0x120: {  	(tag) =	ssettag $0x2  }
0x121: {  	s0 =	rddreg [dreg:$0x0];
	s2 =	stileid.u32  }
0x122: {  	s1 =	rddreg [dreg:$0x1];
	p0 =	sne.s32 s2, $0x0  }
0x123: {  	s3 =	rddreg [dreg:$0x2];
	[bflag:$0x3] =	sbarrier.arrive $0xFFFF;
	s2 =	simm.s32 @!p0 $0x1C02  }
0x124: {  	[timem:s3], [sflag:s2] =	dma.local @!p0 [hbm:s0], s1  }
0x125: {  	s0 =	simm.s32 @!p0 $0x2  }
0x126: {  	_ =	swait.ge @!p0 [sflag:s0], s1  }
0x127: {  	s1 =	ssub.s32 @!p0 $0x0, s1;
	[sflag:s0] =	ssyncset.done @!p0 $0x0  }
0x128: {  	[sflag:s0] =	ssyncadd.s32 @!p0 s1  }
0x129: {  	[bflag:$0x3] =	sbarrier.arrive $0xFFFF  }
0x12a: {  	_ =	shalt  }

</sc_bundles>
